<compile_context>
chip_gen: v7x
topology: tpu7x:2x2x1
jax: 0.10.2.dev20260603
libtpu: 0.0.44.dev20260713+nightly
codegen_flags: <defaults>
</compile_context>

<pallas_src>
import functools

import jax
import jax.numpy as jnp
from jax import lax
from jax.experimental import pallas as pl
from jax.experimental.pallas import tpu as pltpu
from jax.experimental.pallas import tpu_sc as plsc


def _gather_padded(xT2, emb2, pos, *, B, S, D, NC, NS):
    NW = NC * NS
    WB = B // NW
    NB = 4
    W = 2 * D
    assert B % NW == 0 and WB <= 128 and S % NB == 0

    mesh = plsc.VectorSubcoreMesh(core_axis_name="c", subcore_axis_name="s")

    LANES = D // 16

    @functools.partial(
        pl.kernel,
        out_type=jax.ShapeDtypeStruct((B, S * W), jnp.float32),
        mesh=mesh,
        scratch_types=[
            pltpu.VMEM((S, WB), jnp.int32),
            pltpu.VMEM((S, D), jnp.float32),
            pltpu.VMEM((NB, WB, D), jnp.float32),
            [pltpu.SemaphoreType.DMA] * NB,
            [pltpu.SemaphoreType.DMA] * NB,
        ],
        compiler_params=pltpu.CompilerParams(use_tc_tiling_on_sc=False),
    )
    def emb_kernel(x_hbm, emb_hbm, pos_hbm, out_hbm, idx_v, pos_v, rows_v,
                   gsems, ssems):
        bc = lax.axis_index("s") * NC + lax.axis_index("c")

        pltpu.sync_copy(pos_hbm, pos_v)
        pltpu.sync_copy(x_hbm.at[:, pl.ds(bc * WB, WB)], idx_v)

        def gather(s, b):
            return pltpu.make_async_copy(
                emb_hbm.at[idx_v.at[s]], rows_v.at[b], gsems[b])

        def scatter(s, b):
            return pltpu.make_async_copy(
                rows_v.at[b],
                out_hbm.at[pl.ds(bc * WB, WB), pl.ds(s * W, D)],
                ssems[b])

        gather(0, 0).start()
        gather(1, 1).start()

        @pl.loop(0, S, step=NB)
        def _(s0):
            for b in range(NB):
                s = s0 + b
                tb = (b + 2) % NB

                @pl.when(jnp.logical_and(s + 2 < S, s >= 2))
                def _():
                    scatter(s - 2, tb).wait()

                @pl.when(s + 2 < S)
                def _():
                    gather(s + 2, tb).start()

                gather(s, b).wait()

                pc = [pos_v[s, pl.ds(16 * c, 16)] for c in range(LANES)]

                @pl.loop(0, WB, unroll=8)
                def _(i):
                    for c in range(LANES):
                        plsc.addupdate(
                            rows_v.at[b, i, pl.ds(16 * c, 16)], pc[c])

                scatter(s, b).start()

        for b in range(NB):
            scatter(S - NB + b, b).wait()

    return emb_kernel(xT2, emb2, pos)


def kernel(x, emb_table, pos_table):
    B, S = x.shape
    V, D = emb_table.shape
    assert pos_table.shape == (S, D)

    info = plsc.get_sparse_core_info()
    NC, NS = info.num_cores, info.num_subcores

    xT2 = x.T.astype(jnp.int32) * 2

    C = 1000

    def _pad_body(src_ref, dst_ref):
        dst_ref[...] = jnp.pad(src_ref[...], ((0, 0), (0, D)))

    emb2 = pl.pallas_call(
        _pad_body,
        grid=(V // C,),
        in_specs=[pl.BlockSpec((C, D), lambda j: (j, 0))],
        out_specs=pl.BlockSpec((C, 2 * D), lambda j: (j, 0)),
        out_shape=jax.ShapeDtypeStruct((V, 2 * D), jnp.float32),
    )(emb_table).reshape(2 * V, D)

    padded = _gather_padded(xT2, emb2, pos_table, B=B, S=S, D=D, NC=NC, NS=NS)
    return padded.reshape(B, S, 2 * D)[:, :, :D]

# --- scband reference (transcript-rebuilt; emitter-appended) ---
"""Pipeline reference for scband-token-and-position-embedding-31568009626270 (READ-ONLY COPY).

The authoritative reference and input builder live on the scoring server;
editing this copy changes nothing except your own understanding.
"""

import jax, jax.numpy as jnp
import numpy as np

VOCAB = 1000000
EMBED_DIM = 64
MAX_LENGTH = 200
BATCH = 4096
SEQ = 200

def setup_inputs(seed: int = 0) -> dict:
    key = jax.random.key(seed)
    k1, k2, k3 = jax.random.split(key, 3)
    x = jax.random.randint(k1, (BATCH, SEQ), 0, VOCAB, dtype=jnp.int64 if jax.config.jax_enable_x64 else jnp.int32)
    emb_table = jax.random.normal(k2, (VOCAB, EMBED_DIM), dtype=jnp.float32) * 0.02
    pos_table = jax.random.normal(k3, (MAX_LENGTH, EMBED_DIM), dtype=jnp.float32) * 0.02
    return {"x": x, "emb_table": emb_table, "pos_table": pos_table}

def reference(x, emb_table, pos_table):
    seq_length = x.shape[1]
    positions = jnp.arange(seq_length)  # [S]
    tok = jnp.take(emb_table, x, axis=0)            # [B, S, D] gather
    pos = jnp.take(pos_table, positions, axis=0)    # [S, D]
    pos = jnp.broadcast_to(pos[None, :, :], tok.shape)
    return tok + pos

if __name__ == "__main__":
    import jax
    _d = setup_inputs()
    print(jax.jit(kernel)(*tuple(_d.values())))

</pallas_src>

<mosaic_0001>
#map = affine_map<(d0, d1) -> (0, 0)>
module attributes {stable_mosaic.version = 14 : i64} {
  func.func @emb_kernel(%arg0: i32, %arg1: i32, %arg2: memref<200x4096xi32, #tpu.memory_space<hbm>>, %arg3: memref<2000000x64xf32, #tpu.memory_space<hbm>>, %arg4: memref<200x64xf32, #tpu.memory_space<hbm>>, %arg5: memref<4096x25600xf32, #tpu.memory_space<hbm>>, %arg6: memref<200x128xi32, #tpu.memory_space<vmem>>, %arg7: memref<200x64xf32, #tpu.memory_space<vmem>>, %arg8: memref<4x128x64xf32, #tpu.memory_space<vmem>>, %arg9: memref<!tpu.dma_semaphore, #tpu.memory_space<semaphore_mem>>, %arg10: memref<!tpu.dma_semaphore, #tpu.memory_space<semaphore_mem>>, %arg11: memref<!tpu.dma_semaphore, #tpu.memory_space<semaphore_mem>>, %arg12: memref<!tpu.dma_semaphore, #tpu.memory_space<semaphore_mem>>, %arg13: memref<!tpu.dma_semaphore, #tpu.memory_space<semaphore_mem>>, %arg14: memref<!tpu.dma_semaphore, #tpu.memory_space<semaphore_mem>>, %arg15: memref<!tpu.dma_semaphore, #tpu.memory_space<semaphore_mem>>, %arg16: memref<!tpu.dma_semaphore, #tpu.memory_space<semaphore_mem>>) attributes {dimension_semantics = [#tpu.dimension_semantics<core_parallel>, #tpu.dimension_semantics<subcore_parallel>], iteration_bounds = array<i64: 2, 16>, scalar_prefetch = 0 : i64, scratch_operands = 11 : i64, tpu.core_type = #tpu.core_type<sc_vector_subcore>, window_params = [{transform_indices = #map}, {transform_indices = #map}, {transform_indices = #map}, {transform_indices = #map}]} {
    %mul3A = arith.constant 2 : i32
    %mul3A_0 = arith.muli %arg1, %mul3A : i32
    %add3A = arith.addi %mul3A_0, %arg0 : i32
    "tpu.region"() ({
      %run_scoped3A = tpu.sem_alloc : memref<!tpu.dma_semaphore, #tpu.memory_space<semaphore_mem>>
      tpu.enqueue_dma source(%arg4 : memref<200x64xf32, #tpu.memory_space<hbm>>) target(%arg7 : memref<200x64xf32, #tpu.memory_space<vmem>>) target_semaphore(%run_scoped3A : memref<!tpu.dma_semaphore, #tpu.memory_space<semaphore_mem>>)
      tpu.wait_dma2 semaphore(%run_scoped3A : memref<!tpu.dma_semaphore, #tpu.memory_space<semaphore_mem>>) src(%arg4 : memref<200x64xf32, #tpu.memory_space<hbm>>) dst(%arg7 : memref<200x64xf32, #tpu.memory_space<vmem>>)
      tpu.yield
    }) : () -> ()
    %mul3A_1 = arith.constant 128 : i32
    %mul3A_2 = arith.muli %add3A, %mul3A_1 : i32
    "tpu.region"() ({
      %run_scoped3A = tpu.sem_alloc : memref<!tpu.dma_semaphore, #tpu.memory_space<semaphore_mem>>
      %dma_start3A_89 = arith.constant 0 : i32
      %dma_start3A_90 = tpu.memref_slice %arg2[%dma_start3A_89, %mul3A_2] : memref<200x4096xi32, #tpu.memory_space<hbm>> -> memref<200x128xi32, #tpu.memory_space<hbm>>
      %dma_start3A_91 = arith.constant 0 : i32
      %dma_start3A_92 = tpu.memref_slice %arg2[%dma_start3A_91, %mul3A_2] : memref<200x4096xi32, #tpu.memory_space<hbm>> -> memref<200x128xi32, #tpu.memory_space<hbm>>
      tpu.enqueue_dma source(%dma_start3A_92 : memref<200x128xi32, #tpu.memory_space<hbm>>) target(%arg6 : memref<200x128xi32, #tpu.memory_space<vmem>>) target_semaphore(%run_scoped3A : memref<!tpu.dma_semaphore, #tpu.memory_space<semaphore_mem>>)
      %dma_wait3A_93 = arith.constant 0 : i32
      %dma_wait3A_94 = tpu.memref_slice %arg2[%dma_wait3A_93, %mul3A_2] : memref<200x4096xi32, #tpu.memory_space<hbm>> -> memref<200x128xi32, #tpu.memory_space<hbm>>
      %dma_wait3A_95 = arith.constant 0 : i32
      %dma_wait3A_96 = tpu.memref_slice %arg2[%dma_wait3A_95, %mul3A_2] : memref<200x4096xi32, #tpu.memory_space<hbm>> -> memref<200x128xi32, #tpu.memory_space<hbm>>
      tpu.wait_dma2 semaphore(%run_scoped3A : memref<!tpu.dma_semaphore, #tpu.memory_space<semaphore_mem>>) src(%dma_wait3A_96 : memref<200x128xi32, #tpu.memory_space<hbm>>) dst(%arg6 : memref<200x128xi32, #tpu.memory_space<vmem>>)
      tpu.yield
    }) : () -> ()
    %dma_start3A = arith.constant 0 : i32
    %dma_start3A_3 = arith.constant 0 : i32
    %dma_start3A_4 = arith.constant 0 : i32
    %dma_start3A_5 = arith.constant 0 : i32
    %dma_start3A_6 = tpu.memref_slice %arg8[%dma_start3A_3, %dma_start3A_4, %dma_start3A_5] : memref<4x128x64xf32, #tpu.memory_space<vmem>> -> memref<1x128x64xf32, #tpu.memory_space<vmem>>
    %dma_start3A_7 = tpu.memref_squeeze %dma_start3A_6 : memref<1x128x64xf32, #tpu.memory_space<vmem>> -> memref<128x64xf32, #tpu.memory_space<vmem>>
    %dma_start3A_8 = arith.constant 0 : i32
    %dma_start3A_9 = tpu.memref_slice %arg6[%dma_start3A, %dma_start3A_8] : memref<200x128xi32, #tpu.memory_space<vmem>> -> memref<1x128xi32, #tpu.memory_space<vmem>>
    %dma_start3A_10 = tpu.memref_squeeze %dma_start3A_9 : memref<1x128xi32, #tpu.memory_space<vmem>> -> memref<128xi32, #tpu.memory_space<vmem>>
    %dma_start3A_11 = arith.constant 0 : i32
    %dma_start3A_12 = arith.constant 0 : i32
    %dma_start3A_13 = tpu.memref_slice %arg3[%dma_start3A_11, %dma_start3A_12] : memref<2000000x64xf32, #tpu.memory_space<hbm>> -> memref<2000000x64xf32, #tpu.memory_space<hbm>>
    tpu.enqueue_indirect_dma source(%dma_start3A_13 : memref<2000000x64xf32, #tpu.memory_space<hbm>>) target(%dma_start3A_7 : memref<128x64xf32, #tpu.memory_space<vmem>>) offsets(%dma_start3A_10 : memref<128xi32, #tpu.memory_space<vmem>>) semaphore(%arg9 : memref<!tpu.dma_semaphore, #tpu.memory_space<semaphore_mem>>)
    %dma_start3A_14 = arith.constant 1 : i32
    %dma_start3A_15 = arith.constant 1 : i32
    %dma_start3A_16 = arith.constant 0 : i32
    %dma_start3A_17 = arith.constant 0 : i32
    %dma_start3A_18 = tpu.memref_slice %arg8[%dma_start3A_15, %dma_start3A_16, %dma_start3A_17] : memref<4x128x64xf32, #tpu.memory_space<vmem>> -> memref<1x128x64xf32, #tpu.memory_space<vmem>>
    %dma_start3A_19 = tpu.memref_squeeze %dma_start3A_18 : memref<1x128x64xf32, #tpu.memory_space<vmem>> -> memref<128x64xf32, #tpu.memory_space<vmem>>
    %dma_start3A_20 = arith.constant 0 : i32
    %dma_start3A_21 = tpu.memref_slice %arg6[%dma_start3A_14, %dma_start3A_20] : memref<200x128xi32, #tpu.memory_space<vmem>> -> memref<1x128xi32, #tpu.memory_space<vmem>>
    %dma_start3A_22 = tpu.memref_squeeze %dma_start3A_21 : memref<1x128xi32, #tpu.memory_space<vmem>> -> memref<128xi32, #tpu.memory_space<vmem>>
    %dma_start3A_23 = arith.constant 0 : i32
    %dma_start3A_24 = arith.constant 0 : i32
    %dma_start3A_25 = tpu.memref_slice %arg3[%dma_start3A_23, %dma_start3A_24] : memref<2000000x64xf32, #tpu.memory_space<hbm>> -> memref<2000000x64xf32, #tpu.memory_space<hbm>>
    tpu.enqueue_indirect_dma source(%dma_start3A_25 : memref<2000000x64xf32, #tpu.memory_space<hbm>>) target(%dma_start3A_19 : memref<128x64xf32, #tpu.memory_space<vmem>>) offsets(%dma_start3A_22 : memref<128xi32, #tpu.memory_space<vmem>>) semaphore(%arg10 : memref<!tpu.dma_semaphore, #tpu.memory_space<semaphore_mem>>)
    %scan3A = arith.constant 0 : i32
    %scan3A_26 = arith.constant 50 : i32
    %scan3A_27 = arith.addi %scan3A, %scan3A_26 : i32
    %scan3A_28 = arith.constant 1 : i32
    scf.for %scan3A_89 = %scan3A to %scan3A_27 step %scan3A_28  : i32 {
      %mul3A_90 = arith.constant 4 : i32
      %mul3A_91 = arith.muli %scan3A_89, %mul3A_90 : i32
      %add3A_92 = arith.constant 0 : i32
      %add3A_93 = arith.addi %add3A_92, %mul3A_91 : i32
      %add3A_94 = arith.constant 0 : i32
      %add3A_95 = arith.addi %add3A_93, %add3A_94 : i32
      %add3A_96 = arith.constant 2 : i32
      %add3A_97 = arith.addi %add3A_95, %add3A_96 : i32
      %lt3A = arith.constant 200 : i32
      %lt3A_98 = arith.cmpi slt, %add3A_97, %lt3A : i32
      %ge3A = arith.constant 2 : i32
      %ge3A_99 = arith.cmpi sge, %add3A_95, %ge3A : i32
      %and3A = arith.andi %lt3A_98, %ge3A_99 : i1
      %convert_element_type3A = arith.extui %and3A : i1 to i32
      %cond3A = arith.constant 0 : i32
      %cond3A_100 = arith.cmpi ne, %convert_element_type3A, %cond3A : i32
      scf.if %cond3A_100 {
        %sub3A = arith.constant 2 : i32
        %sub3A_352 = arith.subi %add3A_95, %sub3A : i32
        %mul3A_353 = arith.constant 128 : i32
        %mul3A_354 = arith.muli %add3A, %mul3A_353 : i32
        %mul3A_355 = arith.constant 128 : i32
        %mul3A_356 = arith.muli %sub3A_352, %mul3A_355 : i32
        %dma_wait3A_357 = arith.constant 2 : i32
        %dma_wait3A_358 = arith.constant 0 : i32
        %dma_wait3A_359 = arith.constant 0 : i32
        %dma_wait3A_360 = tpu.memref_slice %arg8[%dma_wait3A_357, %dma_wait3A_358, %dma_wait3A_359] : memref<4x128x64xf32, #tpu.memory_space<vmem>> -> memref<1x128x64xf32, #tpu.memory_space<vmem>>
        %dma_wait3A_361 = tpu.memref_squeeze %dma_wait3A_360 : memref<1x128x64xf32, #tpu.memory_space<vmem>> -> memref<128x64xf32, #tpu.memory_space<vmem>>
        %dma_wait3A_362 = tpu.memref_slice %arg5[%mul3A_354, %mul3A_356] : memref<4096x25600xf32, #tpu.memory_space<hbm>> -> memref<128x64xf32, #tpu.memory_space<hbm>>
        %dma_wait3A_363 = tpu.memref_slice %arg5[%mul3A_354, %mul3A_356] : memref<4096x25600xf32, #tpu.memory_space<hbm>> -> memref<128x64xf32, #tpu.memory_space<hbm>>
        %dma_wait3A_364 = arith.constant 0 : i32
        %dma_wait3A_365 = arith.constant 0 : i32
        %dma_wait3A_366 = tpu.memref_slice %arg8[%dma_wait3A_357, %dma_wait3A_364, %dma_wait3A_365] : memref<4x128x64xf32, #tpu.memory_space<vmem>> -> memref<1x128x64xf32, #tpu.memory_space<vmem>>
        %dma_wait3A_367 = tpu.memref_squeeze %dma_wait3A_366 : memref<1x128x64xf32, #tpu.memory_space<vmem>> -> memref<128x64xf32, #tpu.memory_space<vmem>>
        tpu.wait_dma2 semaphore(%arg15 : memref<!tpu.dma_semaphore, #tpu.memory_space<semaphore_mem>>) src(%dma_wait3A_367 : memref<128x64xf32, #tpu.memory_space<vmem>>) dst(%dma_wait3A_363 : memref<128x64xf32, #tpu.memory_space<hbm>>)
      } else {
      }
      %add3A_101 = arith.constant 2 : i32
      %add3A_102 = arith.addi %add3A_95, %add3A_101 : i32
      %lt3A_103 = arith.constant 200 : i32
      %lt3A_104 = arith.cmpi slt, %add3A_102, %lt3A_103 : i32
      %convert_element_type3A_105 = arith.extui %lt3A_104 : i1 to i32
      %cond3A_106 = arith.constant 0 : i32
      %cond3A_107 = arith.cmpi ne, %convert_element_type3A_105, %cond3A_106 : i32
      scf.if %cond3A_107 {
        %add3A_352 = arith.constant 2 : i32
        %add3A_353 = arith.addi %add3A_95, %add3A_352 : i32
        %dma_start3A_354 = arith.constant 2 : i32
        %dma_start3A_355 = arith.constant 0 : i32
        %dma_start3A_356 = arith.constant 0 : i32
        %dma_start3A_357 = tpu.memref_slice %arg8[%dma_start3A_354, %dma_start3A_355, %dma_start3A_356] : memref<4x128x64xf32, #tpu.memory_space<vmem>> -> memref<1x128x64xf32, #tpu.memory_space<vmem>>
        %dma_start3A_358 = tpu.memref_squeeze %dma_start3A_357 : memref<1x128x64xf32, #tpu.memory_space<vmem>> -> memref<128x64xf32, #tpu.memory_space<vmem>>
        %dma_start3A_359 = arith.constant 0 : i32
        %dma_start3A_360 = tpu.memref_slice %arg6[%add3A_353, %dma_start3A_359] : memref<200x128xi32, #tpu.memory_space<vmem>> -> memref<1x128xi32, #tpu.memory_space<vmem>>
        %dma_start3A_361 = tpu.memref_squeeze %dma_start3A_360 : memref<1x128xi32, #tpu.memory_space<vmem>> -> memref<128xi32, #tpu.memory_space<vmem>>
        %dma_start3A_362 = arith.constant 0 : i32
        %dma_start3A_363 = arith.constant 0 : i32
        %dma_start3A_364 = tpu.memref_slice %arg3[%dma_start3A_362, %dma_start3A_363] : memref<2000000x64xf32, #tpu.memory_space<hbm>> -> memref<2000000x64xf32, #tpu.memory_space<hbm>>
        tpu.enqueue_indirect_dma source(%dma_start3A_364 : memref<2000000x64xf32, #tpu.memory_space<hbm>>) target(%dma_start3A_358 : memref<128x64xf32, #tpu.memory_space<vmem>>) offsets(%dma_start3A_361 : memref<128xi32, #tpu.memory_space<vmem>>) semaphore(%arg11 : memref<!tpu.dma_semaphore, #tpu.memory_space<semaphore_mem>>)
      } else {
      }
      %dma_wait3A_108 = arith.constant 0 : i32
      %dma_wait3A_109 = arith.constant 0 : i32
      %dma_wait3A_110 = arith.constant 0 : i32
      %dma_wait3A_111 = tpu.memref_slice %arg8[%dma_wait3A_108, %dma_wait3A_109, %dma_wait3A_110] : memref<4x128x64xf32, #tpu.memory_space<vmem>> -> memref<1x128x64xf32, #tpu.memory_space<vmem>>
      %dma_wait3A_112 = tpu.memref_squeeze %dma_wait3A_111 : memref<1x128x64xf32, #tpu.memory_space<vmem>> -> memref<128x64xf32, #tpu.memory_space<vmem>>
      %dma_wait3A_113 = arith.constant 0 : i32
      %dma_wait3A_114 = tpu.memref_slice %arg6[%add3A_95, %dma_wait3A_113] : memref<200x128xi32, #tpu.memory_space<vmem>> -> memref<1x128xi32, #tpu.memory_space<vmem>>
      %dma_wait3A_115 = tpu.memref_squeeze %dma_wait3A_114 : memref<1x128xi32, #tpu.memory_space<vmem>> -> memref<128xi32, #tpu.memory_space<vmem>>
      %dma_wait3A_116 = arith.constant 0 : i32
      %dma_wait3A_117 = arith.constant 0 : i32
      %dma_wait3A_118 = tpu.memref_slice %arg3[%dma_wait3A_116, %dma_wait3A_117] : memref<2000000x64xf32, #tpu.memory_space<hbm>> -> memref<2000000x64xf32, #tpu.memory_space<hbm>>
      tpu.wait_indirect_dma semaphore(%arg9 : memref<!tpu.dma_semaphore, #tpu.memory_space<semaphore_mem>>) src(%dma_wait3A_118 : memref<2000000x64xf32, #tpu.memory_space<hbm>>) dst(%dma_wait3A_112 : memref<128x64xf32, #tpu.memory_space<vmem>>)
      %get3A = arith.index_cast %add3A_95 : i32 to index
      %get3A_119 = arith.constant 0 : index
      %get3A_120 = tpu.vector_load %arg7[%get3A, %get3A_119] {strides = array<i32>} : memref<200x64xf32, #tpu.memory_space<vmem>>, vector<1x16xf32>,
      %get3A_121 = vector.shape_cast %get3A_120 : vector<1x16xf32> to vector<16xf32>
      %get3A_122 = arith.index_cast %add3A_95 : i32 to index
      %get3A_123 = arith.constant 16 : index
      %get3A_124 = tpu.vector_load %arg7[%get3A_122, %get3A_123] {strides = array<i32>} : memref<200x64xf32, #tpu.memory_space<vmem>>, vector<1x16xf32>,
      %get3A_125 = vector.shape_cast %get3A_124 : vector<1x16xf32> to vector<16xf32>
      %get3A_126 = arith.index_cast %add3A_95 : i32 to index
      %get3A_127 = arith.constant 32 : index
      %get3A_128 = tpu.vector_load %arg7[%get3A_126, %get3A_127] {strides = array<i32>} : memref<200x64xf32, #tpu.memory_space<vmem>>, vector<1x16xf32>,
      %get3A_129 = vector.shape_cast %get3A_128 : vector<1x16xf32> to vector<16xf32>
      %get3A_130 = arith.index_cast %add3A_95 : i32 to index
      %get3A_131 = arith.constant 48 : index
      %get3A_132 = tpu.vector_load %arg7[%get3A_130, %get3A_131] {strides = array<i32>} : memref<200x64xf32, #tpu.memory_space<vmem>>, vector<1x16xf32>,
      %get3A_133 = vector.shape_cast %get3A_132 : vector<1x16xf32> to vector<16xf32>
      %scan3A_134 = arith.constant 0 : i32
      %scan3A_135 = arith.constant 128 : i32
      %scan3A_136 = arith.addi %scan3A_134, %scan3A_135 : i32
      %scan3A_137 = arith.constant 8 : i32
      scf.for %scan3A_352 = %scan3A_134 to %scan3A_136 step %scan3A_137  : i32 {
        %mul3A_353 = arith.constant 1 : i32
        %mul3A_354 = arith.muli %scan3A_352, %mul3A_353 : i32
        %add3A_355 = arith.constant 0 : i32
        %add3A_356 = arith.addi %add3A_355, %mul3A_354 : i32
        %swap3A = arith.constant 0 : i32
        %swap3A_357 = arith.index_cast %swap3A : i32 to index
        %swap3A_358 = arith.index_cast %add3A_356 : i32 to index
        %swap3A_359 = arith.constant 0 : index
        %swap3A_360 = tpu.vector_load %arg8[%swap3A_357, %swap3A_358, %swap3A_359] {strides = array<i32>} : memref<4x128x64xf32, #tpu.memory_space<vmem>>, vector<1x1x16xf32>,
        %swap3A_361 = vector.shape_cast %swap3A_360 : vector<1x1x16xf32> to vector<16xf32>
        %swap3A_362 = vector.shape_cast %get3A_121 : vector<16xf32> to vector<1x1x16xf32>
        tpu.vector_store %arg8[%swap3A_357, %swap3A_358, %swap3A_359], %swap3A_362 {add = true, strides = array<i32>} : memref<4x128x64xf32, #tpu.memory_space<vmem>>, vector<1x1x16xf32>,
        %swap3A_363 = arith.constant 0 : i32
        %swap3A_364 = arith.index_cast %swap3A_363 : i32 to index
        %swap3A_365 = arith.index_cast %add3A_356 : i32 to index
        %swap3A_366 = arith.constant 16 : index
        %swap3A_367 = tpu.vector_load %arg8[%swap3A_364, %swap3A_365, %swap3A_366] {strides = array<i32>} : memref<4x128x64xf32, #tpu.memory_space<vmem>>, vector<1x1x16xf32>,
        %swap3A_368 = vector.shape_cast %swap3A_367 : vector<1x1x16xf32> to vector<16xf32>
        %swap3A_369 = vector.shape_cast %get3A_125 : vector<16xf32> to vector<1x1x16xf32>
        tpu.vector_store %arg8[%swap3A_364, %swap3A_365, %swap3A_366], %swap3A_369 {add = true, strides = array<i32>} : memref<4x128x64xf32, #tpu.memory_space<vmem>>, vector<1x1x16xf32>,
        %swap3A_370 = arith.constant 0 : i32
        %swap3A_371 = arith.index_cast %swap3A_370 : i32 to index
        %swap3A_372 = arith.index_cast %add3A_356 : i32 to index
        %swap3A_373 = arith.constant 32 : index
        %swap3A_374 = tpu.vector_load %arg8[%swap3A_371, %swap3A_372, %swap3A_373] {strides = array<i32>} : memref<4x128x64xf32, #tpu.memory_space<vmem>>, vector<1x1x16xf32>,
        %swap3A_375 = vector.shape_cast %swap3A_374 : vector<1x1x16xf32> to vector<16xf32>
        %swap3A_376 = vector.shape_cast %get3A_129 : vector<16xf32> to vector<1x1x16xf32>
        tpu.vector_store %arg8[%swap3A_371, %swap3A_372, %swap3A_373], %swap3A_376 {add = true, strides = array<i32>} : memref<4x128x64xf32, #tpu.memory_space<vmem>>, vector<1x1x16xf32>,
        %swap3A_377 = arith.constant 0 : i32
        %swap3A_378 = arith.index_cast %swap3A_377 : i32 to index
        %swap3A_379 = arith.index_cast %add3A_356 : i32 to index
        %swap3A_380 = arith.constant 48 : index
        %swap3A_381 = tpu.vector_load %arg8[%swap3A_378, %swap3A_379, %swap3A_380] {strides = array<i32>} : memref<4x128x64xf32, #tpu.memory_space<vmem>>, vector<1x1x16xf32>,
        %swap3A_382 = vector.shape_cast %swap3A_381 : vector<1x1x16xf32> to vector<16xf32>
        %swap3A_383 = vector.shape_cast %get3A_133 : vector<16xf32> to vector<1x1x16xf32>
        tpu.vector_store %arg8[%swap3A_378, %swap3A_379, %swap3A_380], %swap3A_383 {add = true, strides = array<i32>} : memref<4x128x64xf32, #tpu.memory_space<vmem>>, vector<1x1x16xf32>,
        %scan3A_384 = arith.constant 1 : i32
        %scan3A_385 = arith.addi %scan3A_352, %scan3A_384 : i32
        %mul3A_386 = arith.constant 1 : i32
        %mul3A_387 = arith.muli %scan3A_385, %mul3A_386 : i32
        %add3A_388 = arith.constant 0 : i32
        %add3A_389 = arith.addi %add3A_388, %mul3A_387 : i32
        %swap3A_390 = arith.constant 0 : i32
        %swap3A_391 = arith.index_cast %swap3A_390 : i32 to index
        %swap3A_392 = arith.index_cast %add3A_389 : i32 to index
        %swap3A_393 = arith.constant 0 : index
        %swap3A_394 = tpu.vector_load %arg8[%swap3A_391, %swap3A_392, %swap3A_393] {strides = array<i32>} : memref<4x128x64xf32, #tpu.memory_space<vmem>>, vector<1x1x16xf32>,
        %swap3A_395 = vector.shape_cast %swap3A_394 : vector<1x1x16xf32> to vector<16xf32>
        %swap3A_396 = vector.shape_cast %get3A_121 : vector<16xf32> to vector<1x1x16xf32>
        tpu.vector_store %arg8[%swap3A_391, %swap3A_392, %swap3A_393], %swap3A_396 {add = true, strides = array<i32>} : memref<4x128x64xf32, #tpu.memory_space<vmem>>, vector<1x1x16xf32>,
        %swap3A_397 = arith.constant 0 : i32
        %swap3A_398 = arith.index_cast %swap3A_397 : i32 to index
        %swap3A_399 = arith.index_cast %add3A_389 : i32 to index
        %swap3A_400 = arith.constant 16 : index
        %swap3A_401 = tpu.vector_load %arg8[%swap3A_398, %swap3A_399, %swap3A_400] {strides = array<i32>} : memref<4x128x64xf32, #tpu.memory_space<vmem>>, vector<1x1x16xf32>,
        %swap3A_402 = vector.shape_cast %swap3A_401 : vector<1x1x16xf32> to vector<16xf32>
        %swap3A_403 = vector.shape_cast %get3A_125 : vector<16xf32> to vector<1x1x16xf32>
        tpu.vector_store %arg8[%swap3A_398, %swap3A_399, %swap3A_400], %swap3A_403 {add = true, strides = array<i32>} : memref<4x128x64xf32, #tpu.memory_space<vmem>>, vector<1x1x16xf32>,
        %swap3A_404 = arith.constant 0 : i32
        %swap3A_405 = arith.index_cast %swap3A_404 : i32 to index
        %swap3A_406 = arith.index_cast %add3A_389 : i32 to index
        %swap3A_407 = arith.constant 32 : index
        %swap3A_408 = tpu.vector_load %arg8[%swap3A_405, %swap3A_406, %swap3A_407] {strides = array<i32>} : memref<4x128x64xf32, #tpu.memory_space<vmem>>, vector<1x1x16xf32>,
        %swap3A_409 = vector.shape_cast %swap3A_408 : vector<1x1x16xf32> to vector<16xf32>
        %swap3A_410 = vector.shape_cast %get3A_129 : vector<16xf32> to vector<1x1x16xf32>
        tpu.vector_store %arg8[%swap3A_405, %swap3A_406, %swap3A_407], %swap3A_410 {add = true, strides = array<i32>} : memref<4x128x64xf32, #tpu.memory_space<vmem>>, vector<1x1x16xf32>,
        %swap3A_411 = arith.constant 0 : i32
        %swap3A_412 = arith.index_cast %swap3A_411 : i32 to index
        %swap3A_413 = arith.index_cast %add3A_389 : i32 to index
        %swap3A_414 = arith.constant 48 : index
        %swap3A_415 = tpu.vector_load %arg8[%swap3A_412, %swap3A_413, %swap3A_414] {strides = array<i32>} : memref<4x128x64xf32, #tpu.memory_space<vmem>>, vector<1x1x16xf32>,
        %swap3A_416 = vector.shape_cast %swap3A_415 : vector<1x1x16xf32> to vector<16xf32>
        %swap3A_417 = vector.shape_cast %get3A_133 : vector<16xf32> to vector<1x1x16xf32>
        tpu.vector_store %arg8[%swap3A_412, %swap3A_413, %swap3A_414], %swap3A_417 {add = true, strides = array<i32>} : memref<4x128x64xf32, #tpu.memory_space<vmem>>, vector<1x1x16xf32>,
        %scan3A_418 = arith.constant 2 : i32
        %scan3A_419 = arith.addi %scan3A_352, %scan3A_418 : i32
        %mul3A_420 = arith.constant 1 : i32
        %mul3A_421 = arith.muli %scan3A_419, %mul3A_420 : i32
        %add3A_422 = arith.constant 0 : i32
        %add3A_423 = arith.addi %add3A_422, %mul3A_421 : i32
        %swap3A_424 = arith.constant 0 : i32
        %swap3A_425 = arith.index_cast %swap3A_424 : i32 to index
        %swap3A_426 = arith.index_cast %add3A_423 : i32 to index
        %swap3A_427 = arith.constant 0 : index
        %swap3A_428 = tpu.vector_load %arg8[%swap3A_425, %swap3A_426, %swap3A_427] {strides = array<i32>} : memref<4x128x64xf32, #tpu.memory_space<vmem>>, vector<1x1x16xf32>,
        %swap3A_429 = vector.shape_cast %swap3A_428 : vector<1x1x16xf32> to vector<16xf32>
        %swap3A_430 = vector.shape_cast %get3A_121 : vector<16xf32> to vector<1x1x16xf32>
        tpu.vector_store %arg8[%swap3A_425, %swap3A_426, %swap3A_427], %swap3A_430 {add = true, strides = array<i32>} : memref<4x128x64xf32, #tpu.memory_space<vmem>>, vector<1x1x16xf32>,
        %swap3A_431 = arith.constant 0 : i32
        %swap3A_432 = arith.index_cast %swap3A_431 : i32 to index
        %swap3A_433 = arith.index_cast %add3A_423 : i32 to index
        %swap3A_434 = arith.constant 16 : index
        %swap3A_435 = tpu.vector_load %arg8[%swap3A_432, %swap3A_433, %swap3A_434] {strides = array<i32>} : memref<4x128x64xf32, #tpu.memory_space<vmem>>, vector<1x1x16xf32>,
        %swap3A_436 = vector.shape_cast %swap3A_435 : vector<1x1x16xf32> to vector<16xf32>
        %swap3A_437 = vector.shape_cast %get3A_125 : vector<16xf32> to vector<1x1x16xf32>
        tpu.vector_store %arg8[%swap3A_432, %swap3A_433, %swap3A_434], %swap3A_437 {add = true, strides = array<i32>} : memref<4x128x64xf32, #tpu.memory_space<vmem>>, vector<1x1x16xf32>,
        %swap3A_438 = arith.constant 0 : i32
        %swap3A_439 = arith.index_cast %swap3A_438 : i32 to index
        %swap3A_440 = arith.index_cast %add3A_423 : i32 to index
        %swap3A_441 = arith.constant 32 : index
        %swap3A_442 = tpu.vector_load %arg8[%swap3A_439, %swap3A_440, %swap3A_441] {strides = array<i32>} : memref<4x128x64xf32, #tpu.memory_space<vmem>>, vector<1x1x16xf32>,
        %swap3A_443 = vector.shape_cast %swap3A_442 : vector<1x1x16xf32> to vector<16xf32>
        %swap3A_444 = vector.shape_cast %get3A_129 : vector<16xf32> to vector<1x1x16xf32>
        tpu.vector_store %arg8[%swap3A_439, %swap3A_440, %swap3A_441], %swap3A_444 {add = true, strides = array<i32>} : memref<4x128x64xf32, #tpu.memory_space<vmem>>, vector<1x1x16xf32>,
        %swap3A_445 = arith.constant 0 : i32
        %swap3A_446 = arith.index_cast %swap3A_445 : i32 to index
        %swap3A_447 = arith.index_cast %add3A_423 : i32 to index
        %swap3A_448 = arith.constant 48 : index
        %swap3A_449 = tpu.vector_load %arg8[%swap3A_446, %swap3A_447, %swap3A_448] {strides = array<i32>} : memref<4x128x64xf32, #tpu.memory_space<vmem>>, vector<1x1x16xf32>,
        %swap3A_450 = vector.shape_cast %swap3A_449 : vector<1x1x16xf32> to vector<16xf32>
        %swap3A_451 = vector.shape_cast %get3A_133 : vector<16xf32> to vector<1x1x16xf32>
        tpu.vector_store %arg8[%swap3A_446, %swap3A_447, %swap3A_448], %swap3A_451 {add = true, strides = array<i32>} : memref<4x128x64xf32, #tpu.memory_space<vmem>>, vector<1x1x16xf32>,
        %scan3A_452 = arith.constant 3 : i32
        %scan3A_453 = arith.addi %scan3A_352, %scan3A_452 : i32
        %mul3A_454 = arith.constant 1 : i32
        %mul3A_455 = arith.muli %scan3A_453, %mul3A_454 : i32
        %add3A_456 = arith.constant 0 : i32
        %add3A_457 = arith.addi %add3A_456, %mul3A_455 : i32
        %swap3A_458 = arith.constant 0 : i32
        %swap3A_459 = arith.index_cast %swap3A_458 : i32 to index
        %swap3A_460 = arith.index_cast %add3A_457 : i32 to index
        %swap3A_461 = arith.constant 0 : index
        %swap3A_462 = tpu.vector_load %arg8[%swap3A_459, %swap3A_460, %swap3A_461] {strides = array<i32>} : memref<4x128x64xf32, #tpu.memory_space<vmem>>, vector<1x1x16xf32>,
        %swap3A_463 = vector.shape_cast %swap3A_462 : vector<1x1x16xf32> to vector<16xf32>
        %swap3A_464 = vector.shape_cast %get3A_121 : vector<16xf32> to vector<1x1x16xf32>
        tpu.vector_store %arg8[%swap3A_459, %swap3A_460, %swap3A_461], %swap3A_464 {add = true, strides = array<i32>} : memref<4x128x64xf32, #tpu.memory_space<vmem>>, vector<1x1x16xf32>,
        %swap3A_465 = arith.constant 0 : i32
        %swap3A_466 = arith.index_cast %swap3A_465 : i32 to index
        %swap3A_467 = arith.index_cast %add3A_457 : i32 to index
        %swap3A_468 = arith.constant 16 : index
        %swap3A_469 = tpu.vector_load %arg8[%swap3A_466, %swap3A_467, %swap3A_468] {strides = array<i32>} : memref<4x128x64xf32, #tpu.memory_space<vmem>>, vector<1x1x16xf32>,
        %swap3A_470 = vector.shape_cast %swap3A_469 : vector<1x1x16xf32> to vector<16xf32>
        %swap3A_471 = vector.shape_cast %get3A_125 : vector<16xf32> to vector<1x1x16xf32>
        tpu.vector_store %arg8[%swap3A_466, %swap3A_467, %swap3A_468], %swap3A_471 {add = true, strides = array<i32>} : memref<4x128x64xf32, #tpu.memory_space<vmem>>, vector<1x1x16xf32>,
        %swap3A_472 = arith.constant 0 : i32
        %swap3A_473 = arith.index_cast %swap3A_472 : i32 to index
        %swap3A_474 = arith.index_cast %add3A_457 : i32 to index
        %swap3A_475 = arith.constant 32 : index
        %swap3A_476 = tpu.vector_load %arg8[%swap3A_473, %swap3A_474, %swap3A_475] {strides = array<i32>} : memref<4x128x64xf32, #tpu.memory_space<vmem>>, vector<1x1x16xf32>,
        %swap3A_477 = vector.shape_cast %swap3A_476 : vector<1x1x16xf32> to vector<16xf32>
        %swap3A_478 = vector.shape_cast %get3A_129 : vector<16xf32> to vector<1x1x16xf32>
        tpu.vector_store %arg8[%swap3A_473, %swap3A_474, %swap3A_475], %swap3A_478 {add = true, strides = array<i32>} : memref<4x128x64xf32, #tpu.memory_space<vmem>>, vector<1x1x16xf32>,
        %swap3A_479 = arith.constant 0 : i32
        %swap3A_480 = arith.index_cast %swap3A_479 : i32 to index
        %swap3A_481 = arith.index_cast %add3A_457 : i32 to index
        %swap3A_482 = arith.constant 48 : index
        %swap3A_483 = tpu.vector_load %arg8[%swap3A_480, %swap3A_481, %swap3A_482] {strides = array<i32>} : memref<4x128x64xf32, #tpu.memory_space<vmem>>, vector<1x1x16xf32>,
        %swap3A_484 = vector.shape_cast %swap3A_483 : vector<1x1x16xf32> to vector<16xf32>
        %swap3A_485 = vector.shape_cast %get3A_133 : vector<16xf32> to vector<1x1x16xf32>
        tpu.vector_store %arg8[%swap3A_480, %swap3A_481, %swap3A_482], %swap3A_485 {add = true, strides = array<i32>} : memref<4x128x64xf32, #tpu.memory_space<vmem>>, vector<1x1x16xf32>,
        %scan3A_486 = arith.constant 4 : i32
        %scan3A_487 = arith.addi %scan3A_352, %scan3A_486 : i32
        %mul3A_488 = arith.constant 1 : i32
        %mul3A_489 = arith.muli %scan3A_487, %mul3A_488 : i32
        %add3A_490 = arith.constant 0 : i32
        %add3A_491 = arith.addi %add3A_490, %mul3A_489 : i32
        %swap3A_492 = arith.constant 0 : i32
        %swap3A_493 = arith.index_cast %swap3A_492 : i32 to index
        %swap3A_494 = arith.index_cast %add3A_491 : i32 to index
        %swap3A_495 = arith.constant 0 : index
        %swap3A_496 = tpu.vector_load %arg8[%swap3A_493, %swap3A_494, %swap3A_495] {strides = array<i32>} : memref<4x128x64xf32, #tpu.memory_space<vmem>>, vector<1x1x16xf32>,
        %swap3A_497 = vector.shape_cast %swap3A_496 : vector<1x1x16xf32> to vector<16xf32>
        %swap3A_498 = vector.shape_cast %get3A_121 : vector<16xf32> to vector<1x1x16xf32>
        tpu.vector_store %arg8[%swap3A_493, %swap3A_494, %swap3A_495], %swap3A_498 {add = true, strides = array<i32>} : memref<4x128x64xf32, #tpu.memory_space<vmem>>, vector<1x1x16xf32>,
        %swap3A_499 = arith.constant 0 : i32
        %swap3A_500 = arith.index_cast %swap3A_499 : i32 to index
        %swap3A_501 = arith.index_cast %add3A_491 : i32 to index
        %swap3A_502 = arith.constant 16 : index
        %swap3A_503 = tpu.vector_load %arg8[%swap3A_500, %swap3A_501, %swap3A_502] {strides = array<i32>} : memref<4x128x64xf32, #tpu.memory_space<vmem>>, vector<1x1x16xf32>,
        %swap3A_504 = vector.shape_cast %swap3A_503 : vector<1x1x16xf32> to vector<16xf32>
        %swap3A_505 = vector.shape_cast %get3A_125 : vector<16xf32> to vector<1x1x16xf32>
        tpu.vector_store %arg8[%swap3A_500, %swap3A_501, %swap3A_502], %swap3A_505 {add = true, strides = array<i32>} : memref<4x128x64xf32, #tpu.memory_space<vmem>>, vector<1x1x16xf32>,
        %swap3A_506 = arith.constant 0 : i32
        %swap3A_507 = arith.index_cast %swap3A_506 : i32 to index
        %swap3A_508 = arith.index_cast %add3A_491 : i32 to index
        %swap3A_509 = arith.constant 32 : index
        %swap3A_510 = tpu.vector_load %arg8[%swap3A_507, %swap3A_508, %swap3A_509] {strides = array<i32>} : memref<4x128x64xf32, #tpu.memory_space<vmem>>, vector<1x1x16xf32>,
        %swap3A_511 = vector.shape_cast %swap3A_510 : vector<1x1x16xf32> to vector<16xf32>
        %swap3A_512 = vector.shape_cast %get3A_129 : vector<16xf32> to vector<1x1x16xf32>
        tpu.vector_store %arg8[%swap3A_507, %swap3A_508, %swap3A_509], %swap3A_512 {add = true, strides = array<i32>} : memref<4x128x64xf32, #tpu.memory_space<vmem>>, vector<1x1x16xf32>,
        %swap3A_513 = arith.constant 0 : i32
        %swap3A_514 = arith.index_cast %swap3A_513 : i32 to index
        %swap3A_515 = arith.index_cast %add3A_491 : i32 to index
        %swap3A_516 = arith.constant 48 : index
        %swap3A_517 = tpu.vector_load %arg8[%swap3A_514, %swap3A_515, %swap3A_516] {strides = array<i32>} : memref<4x128x64xf32, #tpu.memory_space<vmem>>, vector<1x1x16xf32>,
        %swap3A_518 = vector.shape_cast %swap3A_517 : vector<1x1x16xf32> to vector<16xf32>
        %swap3A_519 = vector.shape_cast %get3A_133 : vector<16xf32> to vector<1x1x16xf32>
        tpu.vector_store %arg8[%swap3A_514, %swap3A_515, %swap3A_516], %swap3A_519 {add = true, strides = array<i32>} : memref<4x128x64xf32, #tpu.memory_space<vmem>>, vector<1x1x16xf32>,
        %scan3A_520 = arith.constant 5 : i32
        %scan3A_521 = arith.addi %scan3A_352, %scan3A_520 : i32
        %mul3A_522 = arith.constant 1 : i32
        %mul3A_523 = arith.muli %scan3A_521, %mul3A_522 : i32
        %add3A_524 = arith.constant 0 : i32
        %add3A_525 = arith.addi %add3A_524, %mul3A_523 : i32
        %swap3A_526 = arith.constant 0 : i32
        %swap3A_527 = arith.index_cast %swap3A_526 : i32 to index
        %swap3A_528 = arith.index_cast %add3A_525 : i32 to index
        %swap3A_529 = arith.constant 0 : index
        %swap3A_530 = tpu.vector_load %arg8[%swap3A_527, %swap3A_528, %swap3A_529] {strides = array<i32>} : memref<4x128x64xf32, #tpu.memory_space<vmem>>, vector<1x1x16xf32>,
        %swap3A_531 = vector.shape_cast %swap3A_530 : vector<1x1x16xf32> to vector<16xf32>
        %swap3A_532 = vector.shape_cast %get3A_121 : vector<16xf32> to vector<1x1x16xf32>
        tpu.vector_store %arg8[%swap3A_527, %swap3A_528, %swap3A_529], %swap3A_532 {add = true, strides = array<i32>} : memref<4x128x64xf32, #tpu.memory_space<vmem>>, vector<1x1x16xf32>,
        %swap3A_533 = arith.constant 0 : i32
        %swap3A_534 = arith.index_cast %swap3A_533 : i32 to index
        %swap3A_535 = arith.index_cast %add3A_525 : i32 to index
        %swap3A_536 = arith.constant 16 : index
        %swap3A_537 = tpu.vector_load %arg8[%swap3A_534, %swap3A_535, %swap3A_536] {strides = array<i32>} : memref<4x128x64xf32, #tpu.memory_space<vmem>>, vector<1x1x16xf32>,
        %swap3A_538 = vector.shape_cast %swap3A_537 : vector<1x1x16xf32> to vector<16xf32>
        %swap3A_539 = vector.shape_cast %get3A_125 : vector<16xf32> to vector<1x1x16xf32>
        tpu.vector_store %arg8[%swap3A_534, %swap3A_535, %swap3A_536], %swap3A_539 {add = true, strides = array<i32>} : memref<4x128x64xf32, #tpu.memory_space<vmem>>, vector<1x1x16xf32>,
        %swap3A_540 = arith.constant 0 : i32
        %swap3A_541 = arith.index_cast %swap3A_540 : i32 to index
        %swap3A_542 = arith.index_cast %add3A_525 : i32 to index
        %swap3A_543 = arith.constant 32 : index
        %swap3A_544 = tpu.vector_load %arg8[%swap3A_541, %swap3A_542, %swap3A_543] {strides = array<i32>} : memref<4x128x64xf32, #tpu.memory_space<vmem>>, vector<1x1x16xf32>,
        %swap3A_545 = vector.shape_cast %swap3A_544 : vector<1x1x16xf32> to vector<16xf32>
        %swap3A_546 = vector.shape_cast %get3A_129 : vector<16xf32> to vector<1x1x16xf32>
        tpu.vector_store %arg8[%swap3A_541, %swap3A_542, %swap3A_543], %swap3A_546 {add = true, strides = array<i32>} : memref<4x128x64xf32, #tpu.memory_space<vmem>>, vector<1x1x16xf32>,
        %swap3A_547 = arith.constant 0 : i32
        %swap3A_548 = arith.index_cast %swap3A_547 : i32 to index
        %swap3A_549 = arith.index_cast %add3A_525 : i32 to index
        %swap3A_550 = arith.constant 48 : index
        %swap3A_551 = tpu.vector_load %arg8[%swap3A_548, %swap3A_549, %swap3A_550] {strides = array<i32>} : memref<4x128x64xf32, #tpu.memory_space<vmem>>, vector<1x1x16xf32>,
        %swap3A_552 = vector.shape_cast %swap3A_551 : vector<1x1x16xf32> to vector<16xf32>
        %swap3A_553 = vector.shape_cast %get3A_133 : vector<16xf32> to vector<1x1x16xf32>
        tpu.vector_store %arg8[%swap3A_548, %swap3A_549, %swap3A_550], %swap3A_553 {add = true, strides = array<i32>} : memref<4x128x64xf32, #tpu.memory_space<vmem>>, vector<1x1x16xf32>,
        %scan3A_554 = arith.constant 6 : i32
        %scan3A_555 = arith.addi %scan3A_352, %scan3A_554 : i32
        %mul3A_556 = arith.constant 1 : i32
        %mul3A_557 = arith.muli %scan3A_555, %mul3A_556 : i32
        %add3A_558 = arith.constant 0 : i32
        %add3A_559 = arith.addi %add3A_558, %mul3A_557 : i32
        %swap3A_560 = arith.constant 0 : i32
        %swap3A_561 = arith.index_cast %swap3A_560 : i32 to index
        %swap3A_562 = arith.index_cast %add3A_559 : i32 to index
        %swap3A_563 = arith.constant 0 : index
        %swap3A_564 = tpu.vector_load %arg8[%swap3A_561, %swap3A_562, %swap3A_563] {strides = array<i32>} : memref<4x128x64xf32, #tpu.memory_space<vmem>>, vector<1x1x16xf32>,
        %swap3A_565 = vector.shape_cast %swap3A_564 : vector<1x1x16xf32> to vector<16xf32>
        %swap3A_566 = vector.shape_cast %get3A_121 : vector<16xf32> to vector<1x1x16xf32>
        tpu.vector_store %arg8[%swap3A_561, %swap3A_562, %swap3A_563], %swap3A_566 {add = true, strides = array<i32>} : memref<4x128x64xf32, #tpu.memory_space<vmem>>, vector<1x1x16xf32>,
        %swap3A_567 = arith.constant 0 : i32
        %swap3A_568 = arith.index_cast %swap3A_567 : i32 to index
        %swap3A_569 = arith.index_cast %add3A_559 : i32 to index
        %swap3A_570 = arith.constant 16 : index
        %swap3A_571 = tpu.vector_load %arg8[%swap3A_568, %swap3A_569, %swap3A_570] {strides = array<i32>} : memref<4x128x64xf32, #tpu.memory_space<vmem>>, vector<1x1x16xf32>,
        %swap3A_572 = vector.shape_cast %swap3A_571 : vector<1x1x16xf32> to vector<16xf32>
        %swap3A_573 = vector.shape_cast %get3A_125 : vector<16xf32> to vector<1x1x16xf32>
        tpu.vector_store %arg8[%swap3A_568, %swap3A_569, %swap3A_570], %swap3A_573 {add = true, strides = array<i32>} : memref<4x128x64xf32, #tpu.memory_space<vmem>>, vector<1x1x16xf32>,
        %swap3A_574 = arith.constant 0 : i32
        %swap3A_575 = arith.index_cast %swap3A_574 : i32 to index
        %swap3A_576 = arith.index_cast %add3A_559 : i32 to index
        %swap3A_577 = arith.constant 32 : index
        %swap3A_578 = tpu.vector_load %arg8[%swap3A_575, %swap3A_576, %swap3A_577] {strides = array<i32>} : memref<4x128x64xf32, #tpu.memory_space<vmem>>, vector<1x1x16xf32>,
        %swap3A_579 = vector.shape_cast %swap3A_578 : vector<1x1x16xf32> to vector<16xf32>
        %swap3A_580 = vector.shape_cast %get3A_129 : vector<16xf32> to vector<1x1x16xf32>
        tpu.vector_store %arg8[%swap3A_575, %swap3A_576, %swap3A_577], %swap3A_580 {add = true, strides = array<i32>} : memref<4x128x64xf32, #tpu.memory_space<vmem>>, vector<1x1x16xf32>,
        %swap3A_581 = arith.constant 0 : i32
        %swap3A_582 = arith.index_cast %swap3A_581 : i32 to index
        %swap3A_583 = arith.index_cast %add3A_559 : i32 to index
        %swap3A_584 = arith.constant 48 : index
        %swap3A_585 = tpu.vector_load %arg8[%swap3A_582, %swap3A_583, %swap3A_584] {strides = array<i32>} : memref<4x128x64xf32, #tpu.memory_space<vmem>>, vector<1x1x16xf32>,
        %swap3A_586 = vector.shape_cast %swap3A_585 : vector<1x1x16xf32> to vector<16xf32>
        %swap3A_587 = vector.shape_cast %get3A_133 : vector<16xf32> to vector<1x1x16xf32>
        tpu.vector_store %arg8[%swap3A_582, %swap3A_583, %swap3A_584], %swap3A_587 {add = true, strides = array<i32>} : memref<4x128x64xf32, #tpu.memory_space<vmem>>, vector<1x1x16xf32>,
        %scan3A_588 = arith.constant 7 : i32
        %scan3A_589 = arith.addi %scan3A_352, %scan3A_588 : i32
        %mul3A_590 = arith.constant 1 : i32
        %mul3A_591 = arith.muli %scan3A_589, %mul3A_590 : i32
        %add3A_592 = arith.constant 0 : i32
        %add3A_593 = arith.addi %add3A_592, %mul3A_591 : i32
        %swap3A_594 = arith.constant 0 : i32
        %swap3A_595 = arith.index_cast %swap3A_594 : i32 to index
        %swap3A_596 = arith.index_cast %add3A_593 : i32 to index
        %swap3A_597 = arith.constant 0 : index
        %swap3A_598 = tpu.vector_load %arg8[%swap3A_595, %swap3A_596, %swap3A_597] {strides = array<i32>} : memref<4x128x64xf32, #tpu.memory_space<vmem>>, vector<1x1x16xf32>,
        %swap3A_599 = vector.shape_cast %swap3A_598 : vector<1x1x16xf32> to vector<16xf32>
        %swap3A_600 = vector.shape_cast %get3A_121 : vector<16xf32> to vector<1x1x16xf32>
        tpu.vector_store %arg8[%swap3A_595, %swap3A_596, %swap3A_597], %swap3A_600 {add = true, strides = array<i32>} : memref<4x128x64xf32, #tpu.memory_space<vmem>>, vector<1x1x16xf32>,
        %swap3A_601 = arith.constant 0 : i32
        %swap3A_602 = arith.index_cast %swap3A_601 : i32 to index
        %swap3A_603 = arith.index_cast %add3A_593 : i32 to index
        %swap3A_604 = arith.constant 16 : index
        %swap3A_605 = tpu.vector_load %arg8[%swap3A_602, %swap3A_603, %swap3A_604] {strides = array<i32>} : memref<4x128x64xf32, #tpu.memory_space<vmem>>, vector<1x1x16xf32>,
        %swap3A_606 = vector.shape_cast %swap3A_605 : vector<1x1x16xf32> to vector<16xf32>
        %swap3A_607 = vector.shape_cast %get3A_125 : vector<16xf32> to vector<1x1x16xf32>
        tpu.vector_store %arg8[%swap3A_602, %swap3A_603, %swap3A_604], %swap3A_607 {add = true, strides = array<i32>} : memref<4x128x64xf32, #tpu.memory_space<vmem>>, vector<1x1x16xf32>,
        %swap3A_608 = arith.constant 0 : i32
        %swap3A_609 = arith.index_cast %swap3A_608 : i32 to index
        %swap3A_610 = arith.index_cast %add3A_593 : i32 to index
        %swap3A_611 = arith.constant 32 : index
        %swap3A_612 = tpu.vector_load %arg8[%swap3A_609, %swap3A_610, %swap3A_611] {strides = array<i32>} : memref<4x128x64xf32, #tpu.memory_space<vmem>>, vector<1x1x16xf32>,
        %swap3A_613 = vector.shape_cast %swap3A_612 : vector<1x1x16xf32> to vector<16xf32>
        %swap3A_614 = vector.shape_cast %get3A_129 : vector<16xf32> to vector<1x1x16xf32>
        tpu.vector_store %arg8[%swap3A_609, %swap3A_610, %swap3A_611], %swap3A_614 {add = true, strides = array<i32>} : memref<4x128x64xf32, #tpu.memory_space<vmem>>, vector<1x1x16xf32>,
        %swap3A_615 = arith.constant 0 : i32
        %swap3A_616 = arith.index_cast %swap3A_615 : i32 to index
        %swap3A_617 = arith.index_cast %add3A_593 : i32 to index
        %swap3A_618 = arith.constant 48 : index
        %swap3A_619 = tpu.vector_load %arg8[%swap3A_616, %swap3A_617, %swap3A_618] {strides = array<i32>} : memref<4x128x64xf32, #tpu.memory_space<vmem>>, vector<1x1x16xf32>,
        %swap3A_620 = vector.shape_cast %swap3A_619 : vector<1x1x16xf32> to vector<16xf32>
        %swap3A_621 = vector.shape_cast %get3A_133 : vector<16xf32> to vector<1x1x16xf32>
        tpu.vector_store %arg8[%swap3A_616, %swap3A_617, %swap3A_618], %swap3A_621 {add = true, strides = array<i32>} : memref<4x128x64xf32, #tpu.memory_space<vmem>>, vector<1x1x16xf32>,
      }
      %scan3A_138 = arith.constant 128 : i32
      %mul3A_139 = arith.constant 128 : i32
      %mul3A_140 = arith.muli %add3A, %mul3A_139 : i32
      %mul3A_141 = arith.constant 128 : i32
      %mul3A_142 = arith.muli %add3A_95, %mul3A_141 : i32
      %dma_start3A_143 = arith.constant 0 : i32
      %dma_start3A_144 = arith.constant 0 : i32
      %dma_start3A_145 = arith.constant 0 : i32
      %dma_start3A_146 = tpu.memref_slice %arg8[%dma_start3A_143, %dma_start3A_144, %dma_start3A_145] : memref<4x128x64xf32, #tpu.memory_space<vmem>> -> memref<1x128x64xf32, #tpu.memory_space<vmem>>
      %dma_start3A_147 = tpu.memref_squeeze %dma_start3A_146 : memref<1x128x64xf32, #tpu.memory_space<vmem>> -> memref<128x64xf32, #tpu.memory_space<vmem>>
      %dma_start3A_148 = tpu.memref_slice %arg5[%mul3A_140, %mul3A_142] : memref<4096x25600xf32, #tpu.memory_space<hbm>> -> memref<128x64xf32, #tpu.memory_space<hbm>>
      %dma_start3A_149 = tpu.memref_slice %arg5[%mul3A_140, %mul3A_142] : memref<4096x25600xf32, #tpu.memory_space<hbm>> -> memref<128x64xf32, #tpu.memory_space<hbm>>
      %dma_start3A_150 = arith.constant 0 : i32
      %dma_start3A_151 = arith.constant 0 : i32
      %dma_start3A_152 = tpu.memref_slice %arg8[%dma_start3A_143, %dma_start3A_150, %dma_start3A_151] : memref<4x128x64xf32, #tpu.memory_space<vmem>> -> memref<1x128x64xf32, #tpu.memory_space<vmem>>
      %dma_start3A_153 = tpu.memref_squeeze %dma_start3A_152 : memref<1x128x64xf32, #tpu.memory_space<vmem>> -> memref<128x64xf32, #tpu.memory_space<vmem>>
      tpu.enqueue_dma source(%dma_start3A_153 : memref<128x64xf32, #tpu.memory_space<vmem>>) target(%dma_start3A_149 : memref<128x64xf32, #tpu.memory_space<hbm>>) target_semaphore(%arg13 : memref<!tpu.dma_semaphore, #tpu.memory_space<semaphore_mem>>)
      %add3A_154 = arith.constant 1 : i32
      %add3A_155 = arith.addi %add3A_93, %add3A_154 : i32
      %add3A_156 = arith.constant 2 : i32
      %add3A_157 = arith.addi %add3A_155, %add3A_156 : i32
      %lt3A_158 = arith.constant 200 : i32
      %lt3A_159 = arith.cmpi slt, %add3A_157, %lt3A_158 : i32
      %ge3A_160 = arith.constant 2 : i32
      %ge3A_161 = arith.cmpi sge, %add3A_155, %ge3A_160 : i32
      %and3A_162 = arith.andi %lt3A_159, %ge3A_161 : i1
      %convert_element_type3A_163 = arith.extui %and3A_162 : i1 to i32
      %cond3A_164 = arith.constant 0 : i32
      %cond3A_165 = arith.cmpi ne, %convert_element_type3A_163, %cond3A_164 : i32
      scf.if %cond3A_165 {
        %sub3A = arith.constant 2 : i32
        %sub3A_352 = arith.subi %add3A_155, %sub3A : i32
        %mul3A_353 = arith.constant 128 : i32
        %mul3A_354 = arith.muli %add3A, %mul3A_353 : i32
        %mul3A_355 = arith.constant 128 : i32
        %mul3A_356 = arith.muli %sub3A_352, %mul3A_355 : i32
        %dma_wait3A_357 = arith.constant 3 : i32
        %dma_wait3A_358 = arith.constant 0 : i32
        %dma_wait3A_359 = arith.constant 0 : i32
        %dma_wait3A_360 = tpu.memref_slice %arg8[%dma_wait3A_357, %dma_wait3A_358, %dma_wait3A_359] : memref<4x128x64xf32, #tpu.memory_space<vmem>> -> memref<1x128x64xf32, #tpu.memory_space<vmem>>
        %dma_wait3A_361 = tpu.memref_squeeze %dma_wait3A_360 : memref<1x128x64xf32, #tpu.memory_space<vmem>> -> memref<128x64xf32, #tpu.memory_space<vmem>>
        %dma_wait3A_362 = tpu.memref_slice %arg5[%mul3A_354, %mul3A_356] : memref<4096x25600xf32, #tpu.memory_space<hbm>> -> memref<128x64xf32, #tpu.memory_space<hbm>>
        %dma_wait3A_363 = tpu.memref_slice %arg5[%mul3A_354, %mul3A_356] : memref<4096x25600xf32, #tpu.memory_space<hbm>> -> memref<128x64xf32, #tpu.memory_space<hbm>>
        %dma_wait3A_364 = arith.constant 0 : i32
        %dma_wait3A_365 = arith.constant 0 : i32
        %dma_wait3A_366 = tpu.memref_slice %arg8[%dma_wait3A_357, %dma_wait3A_364, %dma_wait3A_365] : memref<4x128x64xf32, #tpu.memory_space<vmem>> -> memref<1x128x64xf32, #tpu.memory_space<vmem>>
        %dma_wait3A_367 = tpu.memref_squeeze %dma_wait3A_366 : memref<1x128x64xf32, #tpu.memory_space<vmem>> -> memref<128x64xf32, #tpu.memory_space<vmem>>
        tpu.wait_dma2 semaphore(%arg16 : memref<!tpu.dma_semaphore, #tpu.memory_space<semaphore_mem>>) src(%dma_wait3A_367 : memref<128x64xf32, #tpu.memory_space<vmem>>) dst(%dma_wait3A_363 : memref<128x64xf32, #tpu.memory_space<hbm>>)
      } else {
      }
      %add3A_166 = arith.constant 2 : i32
      %add3A_167 = arith.addi %add3A_155, %add3A_166 : i32
      %lt3A_168 = arith.constant 200 : i32
      %lt3A_169 = arith.cmpi slt, %add3A_167, %lt3A_168 : i32
      %convert_element_type3A_170 = arith.extui %lt3A_169 : i1 to i32
      %cond3A_171 = arith.constant 0 : i32
      %cond3A_172 = arith.cmpi ne, %convert_element_type3A_170, %cond3A_171 : i32
      scf.if %cond3A_172 {
        %add3A_352 = arith.constant 2 : i32
        %add3A_353 = arith.addi %add3A_155, %add3A_352 : i32
        %dma_start3A_354 = arith.constant 3 : i32
        %dma_start3A_355 = arith.constant 0 : i32
        %dma_start3A_356 = arith.constant 0 : i32
        %dma_start3A_357 = tpu.memref_slice %arg8[%dma_start3A_354, %dma_start3A_355, %dma_start3A_356] : memref<4x128x64xf32, #tpu.memory_space<vmem>> -> memref<1x128x64xf32, #tpu.memory_space<vmem>>
        %dma_start3A_358 = tpu.memref_squeeze %dma_start3A_357 : memref<1x128x64xf32, #tpu.memory_space<vmem>> -> memref<128x64xf32, #tpu.memory_space<vmem>>
        %dma_start3A_359 = arith.constant 0 : i32
        %dma_start3A_360 = tpu.memref_slice %arg6[%add3A_353, %dma_start3A_359] : memref<200x128xi32, #tpu.memory_space<vmem>> -> memref<1x128xi32, #tpu.memory_space<vmem>>
        %dma_start3A_361 = tpu.memref_squeeze %dma_start3A_360 : memref<1x128xi32, #tpu.memory_space<vmem>> -> memref<128xi32, #tpu.memory_space<vmem>>
        %dma_start3A_362 = arith.constant 0 : i32
        %dma_start3A_363 = arith.constant 0 : i32
        %dma_start3A_364 = tpu.memref_slice %arg3[%dma_start3A_362, %dma_start3A_363] : memref<2000000x64xf32, #tpu.memory_space<hbm>> -> memref<2000000x64xf32, #tpu.memory_space<hbm>>
        tpu.enqueue_indirect_dma source(%dma_start3A_364 : memref<2000000x64xf32, #tpu.memory_space<hbm>>) target(%dma_start3A_358 : memref<128x64xf32, #tpu.memory_space<vmem>>) offsets(%dma_start3A_361 : memref<128xi32, #tpu.memory_space<vmem>>) semaphore(%arg12 : memref<!tpu.dma_semaphore, #tpu.memory_space<semaphore_mem>>)
      } else {
      }
      %dma_wait3A_173 = arith.constant 1 : i32
      %dma_wait3A_174 = arith.constant 0 : i32
      %dma_wait3A_175 = arith.constant 0 : i32
      %dma_wait3A_176 = tpu.memref_slice %arg8[%dma_wait3A_173, %dma_wait3A_174, %dma_wait3A_175] : memref<4x128x64xf32, #tpu.memory_space<vmem>> -> memref<1x128x64xf32, #tpu.memory_space<vmem>>
      %dma_wait3A_177 = tpu.memref_squeeze %dma_wait3A_176 : memref<1x128x64xf32, #tpu.memory_space<vmem>> -> memref<128x64xf32, #tpu.memory_space<vmem>>
      %dma_wait3A_178 = arith.constant 0 : i32
      %dma_wait3A_179 = tpu.memref_slice %arg6[%add3A_155, %dma_wait3A_178] : memref<200x128xi32, #tpu.memory_space<vmem>> -> memref<1x128xi32, #tpu.memory_space<vmem>>
      %dma_wait3A_180 = tpu.memref_squeeze %dma_wait3A_179 : memref<1x128xi32, #tpu.memory_space<vmem>> -> memref<128xi32, #tpu.memory_space<vmem>>
      %dma_wait3A_181 = arith.constant 0 : i32
      %dma_wait3A_182 = arith.constant 0 : i32
      %dma_wait3A_183 = tpu.memref_slice %arg3[%dma_wait3A_181, %dma_wait3A_182] : memref<2000000x64xf32, #tpu.memory_space<hbm>> -> memref<2000000x64xf32, #tpu.memory_space<hbm>>
      tpu.wait_indirect_dma semaphore(%arg10 : memref<!tpu.dma_semaphore, #tpu.memory_space<semaphore_mem>>) src(%dma_wait3A_183 : memref<2000000x64xf32, #tpu.memory_space<hbm>>) dst(%dma_wait3A_177 : memref<128x64xf32, #tpu.memory_space<vmem>>)
      %get3A_184 = arith.index_cast %add3A_155 : i32 to index
      %get3A_185 = arith.constant 0 : index
      %get3A_186 = tpu.vector_load %arg7[%get3A_184, %get3A_185] {strides = array<i32>} : memref<200x64xf32, #tpu.memory_space<vmem>>, vector<1x16xf32>,
      %get3A_187 = vector.shape_cast %get3A_186 : vector<1x16xf32> to vector<16xf32>
      %get3A_188 = arith.index_cast %add3A_155 : i32 to index
      %get3A_189 = arith.constant 16 : index
      %get3A_190 = tpu.vector_load %arg7[%get3A_188, %get3A_189] {strides = array<i32>} : memref<200x64xf32, #tpu.memory_space<vmem>>, vector<1x16xf32>,
      %get3A_191 = vector.shape_cast %get3A_190 : vector<1x16xf32> to vector<16xf32>
      %get3A_192 = arith.index_cast %add3A_155 : i32 to index
      %get3A_193 = arith.constant 32 : index
      %get3A_194 = tpu.vector_load %arg7[%get3A_192, %get3A_193] {strides = array<i32>} : memref<200x64xf32, #tpu.memory_space<vmem>>, vector<1x16xf32>,
      %get3A_195 = vector.shape_cast %get3A_194 : vector<1x16xf32> to vector<16xf32>
      %get3A_196 = arith.index_cast %add3A_155 : i32 to index
      %get3A_197 = arith.constant 48 : index
      %get3A_198 = tpu.vector_load %arg7[%get3A_196, %get3A_197] {strides = array<i32>} : memref<200x64xf32, #tpu.memory_space<vmem>>, vector<1x16xf32>,
      %get3A_199 = vector.shape_cast %get3A_198 : vector<1x16xf32> to vector<16xf32>
      %scan3A_200 = arith.constant 0 : i32
      %scan3A_201 = arith.constant 128 : i32
      %scan3A_202 = arith.addi %scan3A_200, %scan3A_201 : i32
      %scan3A_203 = arith.constant 8 : i32
      scf.for %scan3A_352 = %scan3A_200 to %scan3A_202 step %scan3A_203  : i32 {
        %mul3A_353 = arith.constant 1 : i32
        %mul3A_354 = arith.muli %scan3A_352, %mul3A_353 : i32
        %add3A_355 = arith.constant 0 : i32
        %add3A_356 = arith.addi %add3A_355, %mul3A_354 : i32
        %swap3A = arith.constant 1 : i32
        %swap3A_357 = arith.index_cast %swap3A : i32 to index
        %swap3A_358 = arith.index_cast %add3A_356 : i32 to index
        %swap3A_359 = arith.constant 0 : index
        %swap3A_360 = tpu.vector_load %arg8[%swap3A_357, %swap3A_358, %swap3A_359] {strides = array<i32>} : memref<4x128x64xf32, #tpu.memory_space<vmem>>, vector<1x1x16xf32>,
        %swap3A_361 = vector.shape_cast %swap3A_360 : vector<1x1x16xf32> to vector<16xf32>
        %swap3A_362 = vector.shape_cast %get3A_187 : vector<16xf32> to vector<1x1x16xf32>
        tpu.vector_store %arg8[%swap3A_357, %swap3A_358, %swap3A_359], %swap3A_362 {add = true, strides = array<i32>} : memref<4x128x64xf32, #tpu.memory_space<vmem>>, vector<1x1x16xf32>,
        %swap3A_363 = arith.constant 1 : i32
        %swap3A_364 = arith.index_cast %swap3A_363 : i32 to index
        %swap3A_365 = arith.index_cast %add3A_356 : i32 to index
        %swap3A_366 = arith.constant 16 : index
        %swap3A_367 = tpu.vector_load %arg8[%swap3A_364, %swap3A_365, %swap3A_366] {strides = array<i32>} : memref<4x128x64xf32, #tpu.memory_space<vmem>>, vector<1x1x16xf32>,
        %swap3A_368 = vector.shape_cast %swap3A_367 : vector<1x1x16xf32> to vector<16xf32>
        %swap3A_369 = vector.shape_cast %get3A_191 : vector<16xf32> to vector<1x1x16xf32>
        tpu.vector_store %arg8[%swap3A_364, %swap3A_365, %swap3A_366], %swap3A_369 {add = true, strides = array<i32>} : memref<4x128x64xf32, #tpu.memory_space<vmem>>, vector<1x1x16xf32>,
        %swap3A_370 = arith.constant 1 : i32
        %swap3A_371 = arith.index_cast %swap3A_370 : i32 to index
        %swap3A_372 = arith.index_cast %add3A_356 : i32 to index
        %swap3A_373 = arith.constant 32 : index
        %swap3A_374 = tpu.vector_load %arg8[%swap3A_371, %swap3A_372, %swap3A_373] {strides = array<i32>} : memref<4x128x64xf32, #tpu.memory_space<vmem>>, vector<1x1x16xf32>,
        %swap3A_375 = vector.shape_cast %swap3A_374 : vector<1x1x16xf32> to vector<16xf32>
        %swap3A_376 = vector.shape_cast %get3A_195 : vector<16xf32> to vector<1x1x16xf32>
        tpu.vector_store %arg8[%swap3A_371, %swap3A_372, %swap3A_373], %swap3A_376 {add = true, strides = array<i32>} : memref<4x128x64xf32, #tpu.memory_space<vmem>>, vector<1x1x16xf32>,
        %swap3A_377 = arith.constant 1 : i32
        %swap3A_378 = arith.index_cast %swap3A_377 : i32 to index
        %swap3A_379 = arith.index_cast %add3A_356 : i32 to index
        %swap3A_380 = arith.constant 48 : index
        %swap3A_381 = tpu.vector_load %arg8[%swap3A_378, %swap3A_379, %swap3A_380] {strides = array<i32>} : memref<4x128x64xf32, #tpu.memory_space<vmem>>, vector<1x1x16xf32>,
        %swap3A_382 = vector.shape_cast %swap3A_381 : vector<1x1x16xf32> to vector<16xf32>
        %swap3A_383 = vector.shape_cast %get3A_199 : vector<16xf32> to vector<1x1x16xf32>
        tpu.vector_store %arg8[%swap3A_378, %swap3A_379, %swap3A_380], %swap3A_383 {add = true, strides = array<i32>} : memref<4x128x64xf32, #tpu.memory_space<vmem>>, vector<1x1x16xf32>,
        %scan3A_384 = arith.constant 1 : i32
        %scan3A_385 = arith.addi %scan3A_352, %scan3A_384 : i32
        %mul3A_386 = arith.constant 1 : i32
        %mul3A_387 = arith.muli %scan3A_385, %mul3A_386 : i32
        %add3A_388 = arith.constant 0 : i32
        %add3A_389 = arith.addi %add3A_388, %mul3A_387 : i32
        %swap3A_390 = arith.constant 1 : i32
        %swap3A_391 = arith.index_cast %swap3A_390 : i32 to index
        %swap3A_392 = arith.index_cast %add3A_389 : i32 to index
        %swap3A_393 = arith.constant 0 : index
        %swap3A_394 = tpu.vector_load %arg8[%swap3A_391, %swap3A_392, %swap3A_393] {strides = array<i32>} : memref<4x128x64xf32, #tpu.memory_space<vmem>>, vector<1x1x16xf32>,
        %swap3A_395 = vector.shape_cast %swap3A_394 : vector<1x1x16xf32> to vector<16xf32>
        %swap3A_396 = vector.shape_cast %get3A_187 : vector<16xf32> to vector<1x1x16xf32>
        tpu.vector_store %arg8[%swap3A_391, %swap3A_392, %swap3A_393], %swap3A_396 {add = true, strides = array<i32>} : memref<4x128x64xf32, #tpu.memory_space<vmem>>, vector<1x1x16xf32>,
        %swap3A_397 = arith.constant 1 : i32
        %swap3A_398 = arith.index_cast %swap3A_397 : i32 to index
        %swap3A_399 = arith.index_cast %add3A_389 : i32 to index
        %swap3A_400 = arith.constant 16 : index
        %swap3A_401 = tpu.vector_load %arg8[%swap3A_398, %swap3A_399, %swap3A_400] {strides = array<i32>} : memref<4x128x64xf32, #tpu.memory_space<vmem>>, vector<1x1x16xf32>,
        %swap3A_402 = vector.shape_cast %swap3A_401 : vector<1x1x16xf32> to vector<16xf32>
        %swap3A_403 = vector.shape_cast %get3A_191 : vector<16xf32> to vector<1x1x16xf32>
        tpu.vector_store %arg8[%swap3A_398, %swap3A_399, %swap3A_400], %swap3A_403 {add = true, strides = array<i32>} : memref<4x128x64xf32, #tpu.memory_space<vmem>>, vector<1x1x16xf32>,
        %swap3A_404 = arith.constant 1 : i32
        %swap3A_405 = arith.index_cast %swap3A_404 : i32 to index
        %swap3A_406 = arith.index_cast %add3A_389 : i32 to index
        %swap3A_407 = arith.constant 32 : index
        %swap3A_408 = tpu.vector_load %arg8[%swap3A_405, %swap3A_406, %swap3A_407] {strides = array<i32>} : memref<4x128x64xf32, #tpu.memory_space<vmem>>, vector<1x1x16xf32>,
        %swap3A_409 = vector.shape_cast %swap3A_408 : vector<1x1x16xf32> to vector<16xf32>
        %swap3A_410 = vector.shape_cast %get3A_195 : vector<16xf32> to vector<1x1x16xf32>
        tpu.vector_store %arg8[%swap3A_405, %swap3A_406, %swap3A_407], %swap3A_410 {add = true, strides = array<i32>} : memref<4x128x64xf32, #tpu.memory_space<vmem>>, vector<1x1x16xf32>,
        %swap3A_411 = arith.constant 1 : i32
        %swap3A_412 = arith.index_cast %swap3A_411 : i32 to index
        %swap3A_413 = arith.index_cast %add3A_389 : i32 to index
        %swap3A_414 = arith.constant 48 : index
        %swap3A_415 = tpu.vector_load %arg8[%swap3A_412, %swap3A_413, %swap3A_414] {strides = array<i32>} : memref<4x128x64xf32, #tpu.memory_space<vmem>>, vector<1x1x16xf32>,
        %swap3A_416 = vector.shape_cast %swap3A_415 : vector<1x1x16xf32> to vector<16xf32>
        %swap3A_417 = vector.shape_cast %get3A_199 : vector<16xf32> to vector<1x1x16xf32>
        tpu.vector_store %arg8[%swap3A_412, %swap3A_413, %swap3A_414], %swap3A_417 {add = true, strides = array<i32>} : memref<4x128x64xf32, #tpu.memory_space<vmem>>, vector<1x1x16xf32>,
        %scan3A_418 = arith.constant 2 : i32
        %scan3A_419 = arith.addi %scan3A_352, %scan3A_418 : i32
        %mul3A_420 = arith.constant 1 : i32
        %mul3A_421 = arith.muli %scan3A_419, %mul3A_420 : i32
        %add3A_422 = arith.constant 0 : i32
        %add3A_423 = arith.addi %add3A_422, %mul3A_421 : i32
        %swap3A_424 = arith.constant 1 : i32
        %swap3A_425 = arith.index_cast %swap3A_424 : i32 to index
        %swap3A_426 = arith.index_cast %add3A_423 : i32 to index
        %swap3A_427 = arith.constant 0 : index
        %swap3A_428 = tpu.vector_load %arg8[%swap3A_425, %swap3A_426, %swap3A_427] {strides = array<i32>} : memref<4x128x64xf32, #tpu.memory_space<vmem>>, vector<1x1x16xf32>,
        %swap3A_429 = vector.shape_cast %swap3A_428 : vector<1x1x16xf32> to vector<16xf32>
        %swap3A_430 = vector.shape_cast %get3A_187 : vector<16xf32> to vector<1x1x16xf32>
        tpu.vector_store %arg8[%swap3A_425, %swap3A_426, %swap3A_427], %swap3A_430 {add = true, strides = array<i32>} : memref<4x128x64xf32, #tpu.memory_space<vmem>>, vector<1x1x16xf32>,
        %swap3A_431 = arith.constant 1 : i32
        %swap3A_432 = arith.index_cast %swap3A_431 : i32 to index
        %swap3A_433 = arith.index_cast %add3A_423 : i32 to index
        %swap3A_434 = arith.constant 16 : index
        %swap3A_435 = tpu.vector_load %arg8[%swap3A_432, %swap3A_433, %swap3A_434] {strides = array<i32>} : memref<4x128x64xf32, #tpu.memory_space<vmem>>, vector<1x1x16xf32>,
        %swap3A_436 = vector.shape_cast %swap3A_435 : vector<1x1x16xf32> to vector<16xf32>
        %swap3A_437 = vector.shape_cast %get3A_191 : vector<16xf32> to vector<1x1x16xf32>
        tpu.vector_store %arg8[%swap3A_432, %swap3A_433, %swap3A_434], %swap3A_437 {add = true, strides = array<i32>} : memref<4x128x64xf32, #tpu.memory_space<vmem>>, vector<1x1x16xf32>,
        %swap3A_438 = arith.constant 1 : i32
        %swap3A_439 = arith.index_cast %swap3A_438 : i32 to index
        %swap3A_440 = arith.index_cast %add3A_423 : i32 to index
        %swap3A_441 = arith.constant 32 : index
        %swap3A_442 = tpu.vector_load %arg8[%swap3A_439, %swap3A_440, %swap3A_441] {strides = array<i32>} : memref<4x128x64xf32, #tpu.memory_space<vmem>>, vector<1x1x16xf32>,
        %swap3A_443 = vector.shape_cast %swap3A_442 : vector<1x1x16xf32> to vector<16xf32>
        %swap3A_444 = vector.shape_cast %get3A_195 : vector<16xf32> to vector<1x1x16xf32>
        tpu.vector_store %arg8[%swap3A_439, %swap3A_440, %swap3A_441], %swap3A_444 {add = true, strides = array<i32>} : memref<4x128x64xf32, #tpu.memory_space<vmem>>, vector<1x1x16xf32>,
        %swap3A_445 = arith.constant 1 : i32
        %swap3A_446 = arith.index_cast %swap3A_445 : i32 to index
        %swap3A_447 = arith.index_cast %add3A_423 : i32 to index
        %swap3A_448 = arith.constant 48 : index
        %swap3A_449 = tpu.vector_load %arg8[%swap3A_446, %swap3A_447, %swap3A_448] {strides = array<i32>} : memref<4x128x64xf32, #tpu.memory_space<vmem>>, vector<1x1x16xf32>,
        %swap3A_450 = vector.shape_cast %swap3A_449 : vector<1x1x16xf32> to vector<16xf32>
        %swap3A_451 = vector.shape_cast %get3A_199 : vector<16xf32> to vector<1x1x16xf32>
        tpu.vector_store %arg8[%swap3A_446, %swap3A_447, %swap3A_448], %swap3A_451 {add = true, strides = array<i32>} : memref<4x128x64xf32, #tpu.memory_space<vmem>>, vector<1x1x16xf32>,
        %scan3A_452 = arith.constant 3 : i32
        %scan3A_453 = arith.addi %scan3A_352, %scan3A_452 : i32
        %mul3A_454 = arith.constant 1 : i32
        %mul3A_455 = arith.muli %scan3A_453, %mul3A_454 : i32
        %add3A_456 = arith.constant 0 : i32
        %add3A_457 = arith.addi %add3A_456, %mul3A_455 : i32
        %swap3A_458 = arith.constant 1 : i32
        %swap3A_459 = arith.index_cast %swap3A_458 : i32 to index
        %swap3A_460 = arith.index_cast %add3A_457 : i32 to index
        %swap3A_461 = arith.constant 0 : index
        %swap3A_462 = tpu.vector_load %arg8[%swap3A_459, %swap3A_460, %swap3A_461] {strides = array<i32>} : memref<4x128x64xf32, #tpu.memory_space<vmem>>, vector<1x1x16xf32>,
        %swap3A_463 = vector.shape_cast %swap3A_462 : vector<1x1x16xf32> to vector<16xf32>
        %swap3A_464 = vector.shape_cast %get3A_187 : vector<16xf32> to vector<1x1x16xf32>
        tpu.vector_store %arg8[%swap3A_459, %swap3A_460, %swap3A_461], %swap3A_464 {add = true, strides = array<i32>} : memref<4x128x64xf32, #tpu.memory_space<vmem>>, vector<1x1x16xf32>,
        %swap3A_465 = arith.constant 1 : i32
        %swap3A_466 = arith.index_cast %swap3A_465 : i32 to index
        %swap3A_467 = arith.index_cast %add3A_457 : i32 to index
        %swap3A_468 = arith.constant 16 : index
        %swap3A_469 = tpu.vector_load %arg8[%swap3A_466, %swap3A_467, %swap3A_468] {strides = array<i32>} : memref<4x128x64xf32, #tpu.memory_space<vmem>>, vector<1x1x16xf32>,
        %swap3A_470 = vector.shape_cast %swap3A_469 : vector<1x1x16xf32> to vector<16xf32>
        %swap3A_471 = vector.shape_cast %get3A_191 : vector<16xf32> to vector<1x1x16xf32>
        tpu.vector_store %arg8[%swap3A_466, %swap3A_467, %swap3A_468], %swap3A_471 {add = true, strides = array<i32>} : memref<4x128x64xf32, #tpu.memory_space<vmem>>, vector<1x1x16xf32>,
        %swap3A_472 = arith.constant 1 : i32
        %swap3A_473 = arith.index_cast %swap3A_472 : i32 to index
        %swap3A_474 = arith.index_cast %add3A_457 : i32 to index
        %swap3A_475 = arith.constant 32 : index
        %swap3A_476 = tpu.vector_load %arg8[%swap3A_473, %swap3A_474, %swap3A_475] {strides = array<i32>} : memref<4x128x64xf32, #tpu.memory_space<vmem>>, vector<1x1x16xf32>,
        %swap3A_477 = vector.shape_cast %swap3A_476 : vector<1x1x16xf32> to vector<16xf32>
        %swap3A_478 = vector.shape_cast %get3A_195 : vector<16xf32> to vector<1x1x16xf32>
        tpu.vector_store %arg8[%swap3A_473, %swap3A_474, %swap3A_475], %swap3A_478 {add = true, strides = array<i32>} : memref<4x128x64xf32, #tpu.memory_space<vmem>>, vector<1x1x16xf32>,
        %swap3A_479 = arith.constant 1 : i32
        %swap3A_480 = arith.index_cast %swap3A_479 : i32 to index
        %swap3A_481 = arith.index_cast %add3A_457 : i32 to index
        %swap3A_482 = arith.constant 48 : index
        %swap3A_483 = tpu.vector_load %arg8[%swap3A_480, %swap3A_481, %swap3A_482] {strides = array<i32>} : memref<4x128x64xf32, #tpu.memory_space<vmem>>, vector<1x1x16xf32>,
        %swap3A_484 = vector.shape_cast %swap3A_483 : vector<1x1x16xf32> to vector<16xf32>
        %swap3A_485 = vector.shape_cast %get3A_199 : vector<16xf32> to vector<1x1x16xf32>
        tpu.vector_store %arg8[%swap3A_480, %swap3A_481, %swap3A_482], %swap3A_485 {add = true, strides = array<i32>} : memref<4x128x64xf32, #tpu.memory_space<vmem>>, vector<1x1x16xf32>,
        %scan3A_486 = arith.constant 4 : i32
        %scan3A_487 = arith.addi %scan3A_352, %scan3A_486 : i32
        %mul3A_488 = arith.constant 1 : i32
        %mul3A_489 = arith.muli %scan3A_487, %mul3A_488 : i32
        %add3A_490 = arith.constant 0 : i32
        %add3A_491 = arith.addi %add3A_490, %mul3A_489 : i32
        %swap3A_492 = arith.constant 1 : i32
        %swap3A_493 = arith.index_cast %swap3A_492 : i32 to index
        %swap3A_494 = arith.index_cast %add3A_491 : i32 to index
        %swap3A_495 = arith.constant 0 : index
        %swap3A_496 = tpu.vector_load %arg8[%swap3A_493, %swap3A_494, %swap3A_495] {strides = array<i32>} : memref<4x128x64xf32, #tpu.memory_space<vmem>>, vector<1x1x16xf32>,
        %swap3A_497 = vector.shape_cast %swap3A_496 : vector<1x1x16xf32> to vector<16xf32>
        %swap3A_498 = vector.shape_cast %get3A_187 : vector<16xf32> to vector<1x1x16xf32>
        tpu.vector_store %arg8[%swap3A_493, %swap3A_494, %swap3A_495], %swap3A_498 {add = true, strides = array<i32>} : memref<4x128x64xf32, #tpu.memory_space<vmem>>, vector<1x1x16xf32>,
        %swap3A_499 = arith.constant 1 : i32
        %swap3A_500 = arith.index_cast %swap3A_499 : i32 to index
        %swap3A_501 = arith.index_cast %add3A_491 : i32 to index
        %swap3A_502 = arith.constant 16 : index
        %swap3A_503 = tpu.vector_load %arg8[%swap3A_500, %swap3A_501, %swap3A_502] {strides = array<i32>} : memref<4x128x64xf32, #tpu.memory_space<vmem>>, vector<1x1x16xf32>,
        %swap3A_504 = vector.shape_cast %swap3A_503 : vector<1x1x16xf32> to vector<16xf32>
        %swap3A_505 = vector.shape_cast %get3A_191 : vector<16xf32> to vector<1x1x16xf32>
        tpu.vector_store %arg8[%swap3A_500, %swap3A_501, %swap3A_502], %swap3A_505 {add = true, strides = array<i32>} : memref<4x128x64xf32, #tpu.memory_space<vmem>>, vector<1x1x16xf32>,
        %swap3A_506 = arith.constant 1 : i32
        %swap3A_507 = arith.index_cast %swap3A_506 : i32 to index
        %swap3A_508 = arith.index_cast %add3A_491 : i32 to index
        %swap3A_509 = arith.constant 32 : index
        %swap3A_510 = tpu.vector_load %arg8[%swap3A_507, %swap3A_508, %swap3A_509] {strides = array<i32>} : memref<4x128x64xf32, #tpu.memory_space<vmem>>, vector<1x1x16xf32>,
        %swap3A_511 = vector.shape_cast %swap3A_510 : vector<1x1x16xf32> to vector<16xf32>
        %swap3A_512 = vector.shape_cast %get3A_195 : vector<16xf32> to vector<1x1x16xf32>
        tpu.vector_store %arg8[%swap3A_507, %swap3A_508, %swap3A_509], %swap3A_512 {add = true, strides = array<i32>} : memref<4x128x64xf32, #tpu.memory_space<vmem>>, vector<1x1x16xf32>,
        %swap3A_513 = arith.constant 1 : i32
        %swap3A_514 = arith.index_cast %swap3A_513 : i32 to index
        %swap3A_515 = arith.index_cast %add3A_491 : i32 to index
        %swap3A_516 = arith.constant 48 : index
        %swap3A_517 = tpu.vector_load %arg8[%swap3A_514, %swap3A_515, %swap3A_516] {strides = array<i32>} : memref<4x128x64xf32, #tpu.memory_space<vmem>>, vector<1x1x16xf32>,
        %swap3A_518 = vector.shape_cast %swap3A_517 : vector<1x1x16xf32> to vector<16xf32>
        %swap3A_519 = vector.shape_cast %get3A_199 : vector<16xf32> to vector<1x1x16xf32>
        tpu.vector_store %arg8[%swap3A_514, %swap3A_515, %swap3A_516], %swap3A_519 {add = true, strides = array<i32>} : memref<4x128x64xf32, #tpu.memory_space<vmem>>, vector<1x1x16xf32>,
        %scan3A_520 = arith.constant 5 : i32
        %scan3A_521 = arith.addi %scan3A_352, %scan3A_520 : i32
        %mul3A_522 = arith.constant 1 : i32
        %mul3A_523 = arith.muli %scan3A_521, %mul3A_522 : i32
        %add3A_524 = arith.constant 0 : i32
        %add3A_525 = arith.addi %add3A_524, %mul3A_523 : i32
        %swap3A_526 = arith.constant 1 : i32
        %swap3A_527 = arith.index_cast %swap3A_526 : i32 to index
        %swap3A_528 = arith.index_cast %add3A_525 : i32 to index
        %swap3A_529 = arith.constant 0 : index
        %swap3A_530 = tpu.vector_load %arg8[%swap3A_527, %swap3A_528, %swap3A_529] {strides = array<i32>} : memref<4x128x64xf32, #tpu.memory_space<vmem>>, vector<1x1x16xf32>,
        %swap3A_531 = vector.shape_cast %swap3A_530 : vector<1x1x16xf32> to vector<16xf32>
        %swap3A_532 = vector.shape_cast %get3A_187 : vector<16xf32> to vector<1x1x16xf32>
        tpu.vector_store %arg8[%swap3A_527, %swap3A_528, %swap3A_529], %swap3A_532 {add = true, strides = array<i32>} : memref<4x128x64xf32, #tpu.memory_space<vmem>>, vector<1x1x16xf32>,
        %swap3A_533 = arith.constant 1 : i32
        %swap3A_534 = arith.index_cast %swap3A_533 : i32 to index
        %swap3A_535 = arith.index_cast %add3A_525 : i32 to index
        %swap3A_536 = arith.constant 16 : index
        %swap3A_537 = tpu.vector_load %arg8[%swap3A_534, %swap3A_535, %swap3A_536] {strides = array<i32>} : memref<4x128x64xf32, #tpu.memory_space<vmem>>, vector<1x1x16xf32>,
        %swap3A_538 = vector.shape_cast %swap3A_537 : vector<1x1x16xf32> to vector<16xf32>
        %swap3A_539 = vector.shape_cast %get3A_191 : vector<16xf32> to vector<1x1x16xf32>
        tpu.vector_store %arg8[%swap3A_534, %swap3A_535, %swap3A_536], %swap3A_539 {add = true, strides = array<i32>} : memref<4x128x64xf32, #tpu.memory_space<vmem>>, vector<1x1x16xf32>,
        %swap3A_540 = arith.constant 1 : i32
        %swap3A_541 = arith.index_cast %swap3A_540 : i32 to index
        %swap3A_542 = arith.index_cast %add3A_525 : i32 to index
        %swap3A_543 = arith.constant 32 : index
        %swap3A_544 = tpu.vector_load %arg8[%swap3A_541, %swap3A_542, %swap3A_543] {strides = array<i32>} : memref<4x128x64xf32, #tpu.memory_space<vmem>>, vector<1x1x16xf32>,
        %swap3A_545 = vector.shape_cast %swap3A_544 : vector<1x1x16xf32> to vector<16xf32>
        %swap3A_546 = vector.shape_cast %get3A_195 : vector<16xf32> to vector<1x1x16xf32>
        tpu.vector_store %arg8[%swap3A_541, %swap3A_542, %swap3A_543], %swap3A_546 {add = true, strides = array<i32>} : memref<4x128x64xf32, #tpu.memory_space<vmem>>, vector<1x1x16xf32>,
        %swap3A_547 = arith.constant 1 : i32
        %swap3A_548 = arith.index_cast %swap3A_547 : i32 to index
        %swap3A_549 = arith.index_cast %add3A_525 : i32 to index
        %swap3A_550 = arith.constant 48 : index
        %swap3A_551 = tpu.vector_load %arg8[%swap3A_548, %swap3A_549, %swap3A_550] {strides = array<i32>} : memref<4x128x64xf32, #tpu.memory_space<vmem>>, vector<1x1x16xf32>,
        %swap3A_552 = vector.shape_cast %swap3A_551 : vector<1x1x16xf32> to vector<16xf32>
        %swap3A_553 = vector.shape_cast %get3A_199 : vector<16xf32> to vector<1x1x16xf32>
        tpu.vector_store %arg8[%swap3A_548, %swap3A_549, %swap3A_550], %swap3A_553 {add = true, strides = array<i32>} : memref<4x128x64xf32, #tpu.memory_space<vmem>>, vector<1x1x16xf32>,
        %scan3A_554 = arith.constant 6 : i32
        %scan3A_555 = arith.addi %scan3A_352, %scan3A_554 : i32
        %mul3A_556 = arith.constant 1 : i32
        %mul3A_557 = arith.muli %scan3A_555, %mul3A_556 : i32
        %add3A_558 = arith.constant 0 : i32
        %add3A_559 = arith.addi %add3A_558, %mul3A_557 : i32
        %swap3A_560 = arith.constant 1 : i32
        %swap3A_561 = arith.index_cast %swap3A_560 : i32 to index
        %swap3A_562 = arith.index_cast %add3A_559 : i32 to index
        %swap3A_563 = arith.constant 0 : index
        %swap3A_564 = tpu.vector_load %arg8[%swap3A_561, %swap3A_562, %swap3A_563] {strides = array<i32>} : memref<4x128x64xf32, #tpu.memory_space<vmem>>, vector<1x1x16xf32>,
        %swap3A_565 = vector.shape_cast %swap3A_564 : vector<1x1x16xf32> to vector<16xf32>
        %swap3A_566 = vector.shape_cast %get3A_187 : vector<16xf32> to vector<1x1x16xf32>
        tpu.vector_store %arg8[%swap3A_561, %swap3A_562, %swap3A_563], %swap3A_566 {add = true, strides = array<i32>} : memref<4x128x64xf32, #tpu.memory_space<vmem>>, vector<1x1x16xf32>,
        %swap3A_567 = arith.constant 1 : i32
        %swap3A_568 = arith.index_cast %swap3A_567 : i32 to index
        %swap3A_569 = arith.index_cast %add3A_559 : i32 to index
        %swap3A_570 = arith.constant 16 : index
        %swap3A_571 = tpu.vector_load %arg8[%swap3A_568, %swap3A_569, %swap3A_570] {strides = array<i32>} : memref<4x128x64xf32, #tpu.memory_space<vmem>>, vector<1x1x16xf32>,
        %swap3A_572 = vector.shape_cast %swap3A_571 : vector<1x1x16xf32> to vector<16xf32>
        %swap3A_573 = vector.shape_cast %get3A_191 : vector<16xf32> to vector<1x1x16xf32>
        tpu.vector_store %arg8[%swap3A_568, %swap3A_569, %swap3A_570], %swap3A_573 {add = true, strides = array<i32>} : memref<4x128x64xf32, #tpu.memory_space<vmem>>, vector<1x1x16xf32>,
        %swap3A_574 = arith.constant 1 : i32
        %swap3A_575 = arith.index_cast %swap3A_574 : i32 to index
        %swap3A_576 = arith.index_cast %add3A_559 : i32 to index
        %swap3A_577 = arith.constant 32 : index
        %swap3A_578 = tpu.vector_load %arg8[%swap3A_575, %swap3A_576, %swap3A_577] {strides = array<i32>} : memref<4x128x64xf32, #tpu.memory_space<vmem>>, vector<1x1x16xf32>,
        %swap3A_579 = vector.shape_cast %swap3A_578 : vector<1x1x16xf32> to vector<16xf32>
        %swap3A_580 = vector.shape_cast %get3A_195 : vector<16xf32> to vector<1x1x16xf32>
        tpu.vector_store %arg8[%swap3A_575, %swap3A_576, %swap3A_577], %swap3A_580 {add = true, strides = array<i32>} : memref<4x128x64xf32, #tpu.memory_space<vmem>>, vector<1x1x16xf32>,
        %swap3A_581 = arith.constant 1 : i32
        %swap3A_582 = arith.index_cast %swap3A_581 : i32 to index
        %swap3A_583 = arith.index_cast %add3A_559 : i32 to index
        %swap3A_584 = arith.constant 48 : index
        %swap3A_585 = tpu.vector_load %arg8[%swap3A_582, %swap3A_583, %swap3A_584] {strides = array<i32>} : memref<4x128x64xf32, #tpu.memory_space<vmem>>, vector<1x1x16xf32>,
        %swap3A_586 = vector.shape_cast %swap3A_585 : vector<1x1x16xf32> to vector<16xf32>
        %swap3A_587 = vector.shape_cast %get3A_199 : vector<16xf32> to vector<1x1x16xf32>
        tpu.vector_store %arg8[%swap3A_582, %swap3A_583, %swap3A_584], %swap3A_587 {add = true, strides = array<i32>} : memref<4x128x64xf32, #tpu.memory_space<vmem>>, vector<1x1x16xf32>,
        %scan3A_588 = arith.constant 7 : i32
        %scan3A_589 = arith.addi %scan3A_352, %scan3A_588 : i32
        %mul3A_590 = arith.constant 1 : i32
        %mul3A_591 = arith.muli %scan3A_589, %mul3A_590 : i32
        %add3A_592 = arith.constant 0 : i32
        %add3A_593 = arith.addi %add3A_592, %mul3A_591 : i32
        %swap3A_594 = arith.constant 1 : i32
        %swap3A_595 = arith.index_cast %swap3A_594 : i32 to index
        %swap3A_596 = arith.index_cast %add3A_593 : i32 to index
        %swap3A_597 = arith.constant 0 : index
        %swap3A_598 = tpu.vector_load %arg8[%swap3A_595, %swap3A_596, %swap3A_597] {strides = array<i32>} : memref<4x128x64xf32, #tpu.memory_space<vmem>>, vector<1x1x16xf32>,
        %swap3A_599 = vector.shape_cast %swap3A_598 : vector<1x1x16xf32> to vector<16xf32>
        %swap3A_600 = vector.shape_cast %get3A_187 : vector<16xf32> to vector<1x1x16xf32>
        tpu.vector_store %arg8[%swap3A_595, %swap3A_596, %swap3A_597], %swap3A_600 {add = true, strides = array<i32>} : memref<4x128x64xf32, #tpu.memory_space<vmem>>, vector<1x1x16xf32>,
        %swap3A_601 = arith.constant 1 : i32
        %swap3A_602 = arith.index_cast %swap3A_601 : i32 to index
        %swap3A_603 = arith.index_cast %add3A_593 : i32 to index
        %swap3A_604 = arith.constant 16 : index
        %swap3A_605 = tpu.vector_load %arg8[%swap3A_602, %swap3A_603, %swap3A_604] {strides = array<i32>} : memref<4x128x64xf32, #tpu.memory_space<vmem>>, vector<1x1x16xf32>,
        %swap3A_606 = vector.shape_cast %swap3A_605 : vector<1x1x16xf32> to vector<16xf32>
        %swap3A_607 = vector.shape_cast %get3A_191 : vector<16xf32> to vector<1x1x16xf32>
        tpu.vector_store %arg8[%swap3A_602, %swap3A_603, %swap3A_604], %swap3A_607 {add = true, strides = array<i32>} : memref<4x128x64xf32, #tpu.memory_space<vmem>>, vector<1x1x16xf32>,
        %swap3A_608 = arith.constant 1 : i32
        %swap3A_609 = arith.index_cast %swap3A_608 : i32 to index
        %swap3A_610 = arith.index_cast %add3A_593 : i32 to index
        %swap3A_611 = arith.constant 32 : index
        %swap3A_612 = tpu.vector_load %arg8[%swap3A_609, %swap3A_610, %swap3A_611] {strides = array<i32>} : memref<4x128x64xf32, #tpu.memory_space<vmem>>, vector<1x1x16xf32>,
        %swap3A_613 = vector.shape_cast %swap3A_612 : vector<1x1x16xf32> to vector<16xf32>
        %swap3A_614 = vector.shape_cast %get3A_195 : vector<16xf32> to vector<1x1x16xf32>
        tpu.vector_store %arg8[%swap3A_609, %swap3A_610, %swap3A_611], %swap3A_614 {add = true, strides = array<i32>} : memref<4x128x64xf32, #tpu.memory_space<vmem>>, vector<1x1x16xf32>,
        %swap3A_615 = arith.constant 1 : i32
        %swap3A_616 = arith.index_cast %swap3A_615 : i32 to index
        %swap3A_617 = arith.index_cast %add3A_593 : i32 to index
        %swap3A_618 = arith.constant 48 : index
        %swap3A_619 = tpu.vector_load %arg8[%swap3A_616, %swap3A_617, %swap3A_618] {strides = array<i32>} : memref<4x128x64xf32, #tpu.memory_space<vmem>>, vector<1x1x16xf32>,
        %swap3A_620 = vector.shape_cast %swap3A_619 : vector<1x1x16xf32> to vector<16xf32>
        %swap3A_621 = vector.shape_cast %get3A_199 : vector<16xf32> to vector<1x1x16xf32>
        tpu.vector_store %arg8[%swap3A_616, %swap3A_617, %swap3A_618], %swap3A_621 {add = true, strides = array<i32>} : memref<4x128x64xf32, #tpu.memory_space<vmem>>, vector<1x1x16xf32>,
      }
      %scan3A_204 = arith.constant 128 : i32
      %mul3A_205 = arith.constant 128 : i32
      %mul3A_206 = arith.muli %add3A, %mul3A_205 : i32
      %mul3A_207 = arith.constant 128 : i32
      %mul3A_208 = arith.muli %add3A_155, %mul3A_207 : i32
      %dma_start3A_209 = arith.constant 1 : i32
      %dma_start3A_210 = arith.constant 0 : i32
      %dma_start3A_211 = arith.constant 0 : i32
      %dma_start3A_212 = tpu.memref_slice %arg8[%dma_start3A_209, %dma_start3A_210, %dma_start3A_211] : memref<4x128x64xf32, #tpu.memory_space<vmem>> -> memref<1x128x64xf32, #tpu.memory_space<vmem>>
      %dma_start3A_213 = tpu.memref_squeeze %dma_start3A_212 : memref<1x128x64xf32, #tpu.memory_space<vmem>> -> memref<128x64xf32, #tpu.memory_space<vmem>>
      %dma_start3A_214 = tpu.memref_slice %arg5[%mul3A_206, %mul3A_208] : memref<4096x25600xf32, #tpu.memory_space<hbm>> -> memref<128x64xf32, #tpu.memory_space<hbm>>
      %dma_start3A_215 = tpu.memref_slice %arg5[%mul3A_206, %mul3A_208] : memref<4096x25600xf32, #tpu.memory_space<hbm>> -> memref<128x64xf32, #tpu.memory_space<hbm>>
      %dma_start3A_216 = arith.constant 0 : i32
      %dma_start3A_217 = arith.constant 0 : i32
      %dma_start3A_218 = tpu.memref_slice %arg8[%dma_start3A_209, %dma_start3A_216, %dma_start3A_217] : memref<4x128x64xf32, #tpu.memory_space<vmem>> -> memref<1x128x64xf32, #tpu.memory_space<vmem>>
      %dma_start3A_219 = tpu.memref_squeeze %dma_start3A_218 : memref<1x128x64xf32, #tpu.memory_space<vmem>> -> memref<128x64xf32, #tpu.memory_space<vmem>>
      tpu.enqueue_dma source(%dma_start3A_219 : memref<128x64xf32, #tpu.memory_space<vmem>>) target(%dma_start3A_215 : memref<128x64xf32, #tpu.memory_space<hbm>>) target_semaphore(%arg14 : memref<!tpu.dma_semaphore, #tpu.memory_space<semaphore_mem>>)
      %add3A_220 = arith.constant 2 : i32
      %add3A_221 = arith.addi %add3A_93, %add3A_220 : i32
      %add3A_222 = arith.constant 2 : i32
      %add3A_223 = arith.addi %add3A_221, %add3A_222 : i32
      %lt3A_224 = arith.constant 200 : i32
      %lt3A_225 = arith.cmpi slt, %add3A_223, %lt3A_224 : i32
      %ge3A_226 = arith.constant 2 : i32
      %ge3A_227 = arith.cmpi sge, %add3A_221, %ge3A_226 : i32
      %and3A_228 = arith.andi %lt3A_225, %ge3A_227 : i1
      %convert_element_type3A_229 = arith.extui %and3A_228 : i1 to i32
      %cond3A_230 = arith.constant 0 : i32
      %cond3A_231 = arith.cmpi ne, %convert_element_type3A_229, %cond3A_230 : i32
      scf.if %cond3A_231 {
        %sub3A = arith.constant 2 : i32
        %sub3A_352 = arith.subi %add3A_221, %sub3A : i32
        %mul3A_353 = arith.constant 128 : i32
        %mul3A_354 = arith.muli %add3A, %mul3A_353 : i32
        %mul3A_355 = arith.constant 128 : i32
        %mul3A_356 = arith.muli %sub3A_352, %mul3A_355 : i32
        %dma_wait3A_357 = arith.constant 0 : i32
        %dma_wait3A_358 = arith.constant 0 : i32
        %dma_wait3A_359 = arith.constant 0 : i32
        %dma_wait3A_360 = tpu.memref_slice %arg8[%dma_wait3A_357, %dma_wait3A_358, %dma_wait3A_359] : memref<4x128x64xf32, #tpu.memory_space<vmem>> -> memref<1x128x64xf32, #tpu.memory_space<vmem>>
        %dma_wait3A_361 = tpu.memref_squeeze %dma_wait3A_360 : memref<1x128x64xf32, #tpu.memory_space<vmem>> -> memref<128x64xf32, #tpu.memory_space<vmem>>
        %dma_wait3A_362 = tpu.memref_slice %arg5[%mul3A_354, %mul3A_356] : memref<4096x25600xf32, #tpu.memory_space<hbm>> -> memref<128x64xf32, #tpu.memory_space<hbm>>
        %dma_wait3A_363 = tpu.memref_slice %arg5[%mul3A_354, %mul3A_356] : memref<4096x25600xf32, #tpu.memory_space<hbm>> -> memref<128x64xf32, #tpu.memory_space<hbm>>
        %dma_wait3A_364 = arith.constant 0 : i32
        %dma_wait3A_365 = arith.constant 0 : i32
        %dma_wait3A_366 = tpu.memref_slice %arg8[%dma_wait3A_357, %dma_wait3A_364, %dma_wait3A_365] : memref<4x128x64xf32, #tpu.memory_space<vmem>> -> memref<1x128x64xf32, #tpu.memory_space<vmem>>
        %dma_wait3A_367 = tpu.memref_squeeze %dma_wait3A_366 : memref<1x128x64xf32, #tpu.memory_space<vmem>> -> memref<128x64xf32, #tpu.memory_space<vmem>>
        tpu.wait_dma2 semaphore(%arg13 : memref<!tpu.dma_semaphore, #tpu.memory_space<semaphore_mem>>) src(%dma_wait3A_367 : memref<128x64xf32, #tpu.memory_space<vmem>>) dst(%dma_wait3A_363 : memref<128x64xf32, #tpu.memory_space<hbm>>)
      } else {
      }
      %add3A_232 = arith.constant 2 : i32
      %add3A_233 = arith.addi %add3A_221, %add3A_232 : i32
      %lt3A_234 = arith.constant 200 : i32
      %lt3A_235 = arith.cmpi slt, %add3A_233, %lt3A_234 : i32
      %convert_element_type3A_236 = arith.extui %lt3A_235 : i1 to i32
      %cond3A_237 = arith.constant 0 : i32
      %cond3A_238 = arith.cmpi ne, %convert_element_type3A_236, %cond3A_237 : i32
      scf.if %cond3A_238 {
        %add3A_352 = arith.constant 2 : i32
        %add3A_353 = arith.addi %add3A_221, %add3A_352 : i32
        %dma_start3A_354 = arith.constant 0 : i32
        %dma_start3A_355 = arith.constant 0 : i32
        %dma_start3A_356 = arith.constant 0 : i32
        %dma_start3A_357 = tpu.memref_slice %arg8[%dma_start3A_354, %dma_start3A_355, %dma_start3A_356] : memref<4x128x64xf32, #tpu.memory_space<vmem>> -> memref<1x128x64xf32, #tpu.memory_space<vmem>>
        %dma_start3A_358 = tpu.memref_squeeze %dma_start3A_357 : memref<1x128x64xf32, #tpu.memory_space<vmem>> -> memref<128x64xf32, #tpu.memory_space<vmem>>
        %dma_start3A_359 = arith.constant 0 : i32
        %dma_start3A_360 = tpu.memref_slice %arg6[%add3A_353, %dma_start3A_359] : memref<200x128xi32, #tpu.memory_space<vmem>> -> memref<1x128xi32, #tpu.memory_space<vmem>>
        %dma_start3A_361 = tpu.memref_squeeze %dma_start3A_360 : memref<1x128xi32, #tpu.memory_space<vmem>> -> memref<128xi32, #tpu.memory_space<vmem>>
        %dma_start3A_362 = arith.constant 0 : i32
        %dma_start3A_363 = arith.constant 0 : i32
        %dma_start3A_364 = tpu.memref_slice %arg3[%dma_start3A_362, %dma_start3A_363] : memref<2000000x64xf32, #tpu.memory_space<hbm>> -> memref<2000000x64xf32, #tpu.memory_space<hbm>>
        tpu.enqueue_indirect_dma source(%dma_start3A_364 : memref<2000000x64xf32, #tpu.memory_space<hbm>>) target(%dma_start3A_358 : memref<128x64xf32, #tpu.memory_space<vmem>>) offsets(%dma_start3A_361 : memref<128xi32, #tpu.memory_space<vmem>>) semaphore(%arg9 : memref<!tpu.dma_semaphore, #tpu.memory_space<semaphore_mem>>)
      } else {
      }
      %dma_wait3A_239 = arith.constant 2 : i32
      %dma_wait3A_240 = arith.constant 0 : i32
      %dma_wait3A_241 = arith.constant 0 : i32
      %dma_wait3A_242 = tpu.memref_slice %arg8[%dma_wait3A_239, %dma_wait3A_240, %dma_wait3A_241] : memref<4x128x64xf32, #tpu.memory_space<vmem>> -> memref<1x128x64xf32, #tpu.memory_space<vmem>>
      %dma_wait3A_243 = tpu.memref_squeeze %dma_wait3A_242 : memref<1x128x64xf32, #tpu.memory_space<vmem>> -> memref<128x64xf32, #tpu.memory_space<vmem>>
      %dma_wait3A_244 = arith.constant 0 : i32
      %dma_wait3A_245 = tpu.memref_slice %arg6[%add3A_221, %dma_wait3A_244] : memref<200x128xi32, #tpu.memory_space<vmem>> -> memref<1x128xi32, #tpu.memory_space<vmem>>
      %dma_wait3A_246 = tpu.memref_squeeze %dma_wait3A_245 : memref<1x128xi32, #tpu.memory_space<vmem>> -> memref<128xi32, #tpu.memory_space<vmem>>
      %dma_wait3A_247 = arith.constant 0 : i32
      %dma_wait3A_248 = arith.constant 0 : i32
      %dma_wait3A_249 = tpu.memref_slice %arg3[%dma_wait3A_247, %dma_wait3A_248] : memref<2000000x64xf32, #tpu.memory_space<hbm>> -> memref<2000000x64xf32, #tpu.memory_space<hbm>>
      tpu.wait_indirect_dma semaphore(%arg11 : memref<!tpu.dma_semaphore, #tpu.memory_space<semaphore_mem>>) src(%dma_wait3A_249 : memref<2000000x64xf32, #tpu.memory_space<hbm>>) dst(%dma_wait3A_243 : memref<128x64xf32, #tpu.memory_space<vmem>>)
      %get3A_250 = arith.index_cast %add3A_221 : i32 to index
      %get3A_251 = arith.constant 0 : index
      %get3A_252 = tpu.vector_load %arg7[%get3A_250, %get3A_251] {strides = array<i32>} : memref<200x64xf32, #tpu.memory_space<vmem>>, vector<1x16xf32>,
      %get3A_253 = vector.shape_cast %get3A_252 : vector<1x16xf32> to vector<16xf32>
      %get3A_254 = arith.index_cast %add3A_221 : i32 to index
      %get3A_255 = arith.constant 16 : index
      %get3A_256 = tpu.vector_load %arg7[%get3A_254, %get3A_255] {strides = array<i32>} : memref<200x64xf32, #tpu.memory_space<vmem>>, vector<1x16xf32>,
      %get3A_257 = vector.shape_cast %get3A_256 : vector<1x16xf32> to vector<16xf32>
      %get3A_258 = arith.index_cast %add3A_221 : i32 to index
      %get3A_259 = arith.constant 32 : index
      %get3A_260 = tpu.vector_load %arg7[%get3A_258, %get3A_259] {strides = array<i32>} : memref<200x64xf32, #tpu.memory_space<vmem>>, vector<1x16xf32>,
      %get3A_261 = vector.shape_cast %get3A_260 : vector<1x16xf32> to vector<16xf32>
      %get3A_262 = arith.index_cast %add3A_221 : i32 to index
      %get3A_263 = arith.constant 48 : index
      %get3A_264 = tpu.vector_load %arg7[%get3A_262, %get3A_263] {strides = array<i32>} : memref<200x64xf32, #tpu.memory_space<vmem>>, vector<1x16xf32>,
      %get3A_265 = vector.shape_cast %get3A_264 : vector<1x16xf32> to vector<16xf32>
      %scan3A_266 = arith.constant 0 : i32
      %scan3A_267 = arith.constant 128 : i32
      %scan3A_268 = arith.addi %scan3A_266, %scan3A_267 : i32
      %scan3A_269 = arith.constant 8 : i32
      scf.for %scan3A_352 = %scan3A_266 to %scan3A_268 step %scan3A_269  : i32 {
        %mul3A_353 = arith.constant 1 : i32
        %mul3A_354 = arith.muli %scan3A_352, %mul3A_353 : i32
        %add3A_355 = arith.constant 0 : i32
        %add3A_356 = arith.addi %add3A_355, %mul3A_354 : i32
        %swap3A = arith.constant 2 : i32
        %swap3A_357 = arith.index_cast %swap3A : i32 to index
        %swap3A_358 = arith.index_cast %add3A_356 : i32 to index
        %swap3A_359 = arith.constant 0 : index
        %swap3A_360 = tpu.vector_load %arg8[%swap3A_357, %swap3A_358, %swap3A_359] {strides = array<i32>} : memref<4x128x64xf32, #tpu.memory_space<vmem>>, vector<1x1x16xf32>,
        %swap3A_361 = vector.shape_cast %swap3A_360 : vector<1x1x16xf32> to vector<16xf32>
        %swap3A_362 = vector.shape_cast %get3A_253 : vector<16xf32> to vector<1x1x16xf32>
        tpu.vector_store %arg8[%swap3A_357, %swap3A_358, %swap3A_359], %swap3A_362 {add = true, strides = array<i32>} : memref<4x128x64xf32, #tpu.memory_space<vmem>>, vector<1x1x16xf32>,
        %swap3A_363 = arith.constant 2 : i32
        %swap3A_364 = arith.index_cast %swap3A_363 : i32 to index
        %swap3A_365 = arith.index_cast %add3A_356 : i32 to index
        %swap3A_366 = arith.constant 16 : index
        %swap3A_367 = tpu.vector_load %arg8[%swap3A_364, %swap3A_365, %swap3A_366] {strides = array<i32>} : memref<4x128x64xf32, #tpu.memory_space<vmem>>, vector<1x1x16xf32>,
        %swap3A_368 = vector.shape_cast %swap3A_367 : vector<1x1x16xf32> to vector<16xf32>
        %swap3A_369 = vector.shape_cast %get3A_257 : vector<16xf32> to vector<1x1x16xf32>
        tpu.vector_store %arg8[%swap3A_364, %swap3A_365, %swap3A_366], %swap3A_369 {add = true, strides = array<i32>} : memref<4x128x64xf32, #tpu.memory_space<vmem>>, vector<1x1x16xf32>,
        %swap3A_370 = arith.constant 2 : i32
        %swap3A_371 = arith.index_cast %swap3A_370 : i32 to index
        %swap3A_372 = arith.index_cast %add3A_356 : i32 to index
        %swap3A_373 = arith.constant 32 : index
        %swap3A_374 = tpu.vector_load %arg8[%swap3A_371, %swap3A_372, %swap3A_373] {strides = array<i32>} : memref<4x128x64xf32, #tpu.memory_space<vmem>>, vector<1x1x16xf32>,
        %swap3A_375 = vector.shape_cast %swap3A_374 : vector<1x1x16xf32> to vector<16xf32>
        %swap3A_376 = vector.shape_cast %get3A_261 : vector<16xf32> to vector<1x1x16xf32>
        tpu.vector_store %arg8[%swap3A_371, %swap3A_372, %swap3A_373], %swap3A_376 {add = true, strides = array<i32>} : memref<4x128x64xf32, #tpu.memory_space<vmem>>, vector<1x1x16xf32>,
        %swap3A_377 = arith.constant 2 : i32
        %swap3A_378 = arith.index_cast %swap3A_377 : i32 to index
        %swap3A_379 = arith.index_cast %add3A_356 : i32 to index
        %swap3A_380 = arith.constant 48 : index
        %swap3A_381 = tpu.vector_load %arg8[%swap3A_378, %swap3A_379, %swap3A_380] {strides = array<i32>} : memref<4x128x64xf32, #tpu.memory_space<vmem>>, vector<1x1x16xf32>,
        %swap3A_382 = vector.shape_cast %swap3A_381 : vector<1x1x16xf32> to vector<16xf32>
        %swap3A_383 = vector.shape_cast %get3A_265 : vector<16xf32> to vector<1x1x16xf32>
        tpu.vector_store %arg8[%swap3A_378, %swap3A_379, %swap3A_380], %swap3A_383 {add = true, strides = array<i32>} : memref<4x128x64xf32, #tpu.memory_space<vmem>>, vector<1x1x16xf32>,
        %scan3A_384 = arith.constant 1 : i32
        %scan3A_385 = arith.addi %scan3A_352, %scan3A_384 : i32
        %mul3A_386 = arith.constant 1 : i32
        %mul3A_387 = arith.muli %scan3A_385, %mul3A_386 : i32
        %add3A_388 = arith.constant 0 : i32
        %add3A_389 = arith.addi %add3A_388, %mul3A_387 : i32
        %swap3A_390 = arith.constant 2 : i32
        %swap3A_391 = arith.index_cast %swap3A_390 : i32 to index
        %swap3A_392 = arith.index_cast %add3A_389 : i32 to index
        %swap3A_393 = arith.constant 0 : index
        %swap3A_394 = tpu.vector_load %arg8[%swap3A_391, %swap3A_392, %swap3A_393] {strides = array<i32>} : memref<4x128x64xf32, #tpu.memory_space<vmem>>, vector<1x1x16xf32>,
        %swap3A_395 = vector.shape_cast %swap3A_394 : vector<1x1x16xf32> to vector<16xf32>
        %swap3A_396 = vector.shape_cast %get3A_253 : vector<16xf32> to vector<1x1x16xf32>
        tpu.vector_store %arg8[%swap3A_391, %swap3A_392, %swap3A_393], %swap3A_396 {add = true, strides = array<i32>} : memref<4x128x64xf32, #tpu.memory_space<vmem>>, vector<1x1x16xf32>,
        %swap3A_397 = arith.constant 2 : i32
        %swap3A_398 = arith.index_cast %swap3A_397 : i32 to index
        %swap3A_399 = arith.index_cast %add3A_389 : i32 to index
        %swap3A_400 = arith.constant 16 : index
        %swap3A_401 = tpu.vector_load %arg8[%swap3A_398, %swap3A_399, %swap3A_400] {strides = array<i32>} : memref<4x128x64xf32, #tpu.memory_space<vmem>>, vector<1x1x16xf32>,
        %swap3A_402 = vector.shape_cast %swap3A_401 : vector<1x1x16xf32> to vector<16xf32>
        %swap3A_403 = vector.shape_cast %get3A_257 : vector<16xf32> to vector<1x1x16xf32>
        tpu.vector_store %arg8[%swap3A_398, %swap3A_399, %swap3A_400], %swap3A_403 {add = true, strides = array<i32>} : memref<4x128x64xf32, #tpu.memory_space<vmem>>, vector<1x1x16xf32>,
        %swap3A_404 = arith.constant 2 : i32
        %swap3A_405 = arith.index_cast %swap3A_404 : i32 to index
        %swap3A_406 = arith.index_cast %add3A_389 : i32 to index
        %swap3A_407 = arith.constant 32 : index
        %swap3A_408 = tpu.vector_load %arg8[%swap3A_405, %swap3A_406, %swap3A_407] {strides = array<i32>} : memref<4x128x64xf32, #tpu.memory_space<vmem>>, vector<1x1x16xf32>,
        %swap3A_409 = vector.shape_cast %swap3A_408 : vector<1x1x16xf32> to vector<16xf32>
        %swap3A_410 = vector.shape_cast %get3A_261 : vector<16xf32> to vector<1x1x16xf32>
        tpu.vector_store %arg8[%swap3A_405, %swap3A_406, %swap3A_407], %swap3A_410 {add = true, strides = array<i32>} : memref<4x128x64xf32, #tpu.memory_space<vmem>>, vector<1x1x16xf32>,
        %swap3A_411 = arith.constant 2 : i32
        %swap3A_412 = arith.index_cast %swap3A_411 : i32 to index
        %swap3A_413 = arith.index_cast %add3A_389 : i32 to index
        %swap3A_414 = arith.constant 48 : index
        %swap3A_415 = tpu.vector_load %arg8[%swap3A_412, %swap3A_413, %swap3A_414] {strides = array<i32>} : memref<4x128x64xf32, #tpu.memory_space<vmem>>, vector<1x1x16xf32>,
        %swap3A_416 = vector.shape_cast %swap3A_415 : vector<1x1x16xf32> to vector<16xf32>
        %swap3A_417 = vector.shape_cast %get3A_265 : vector<16xf32> to vector<1x1x16xf32>
        tpu.vector_store %arg8[%swap3A_412, %swap3A_413, %swap3A_414], %swap3A_417 {add = true, strides = array<i32>} : memref<4x128x64xf32, #tpu.memory_space<vmem>>, vector<1x1x16xf32>,
        %scan3A_418 = arith.constant 2 : i32
        %scan3A_419 = arith.addi %scan3A_352, %scan3A_418 : i32
        %mul3A_420 = arith.constant 1 : i32
        %mul3A_421 = arith.muli %scan3A_419, %mul3A_420 : i32
        %add3A_422 = arith.constant 0 : i32
        %add3A_423 = arith.addi %add3A_422, %mul3A_421 : i32
        %swap3A_424 = arith.constant 2 : i32
        %swap3A_425 = arith.index_cast %swap3A_424 : i32 to index
        %swap3A_426 = arith.index_cast %add3A_423 : i32 to index
        %swap3A_427 = arith.constant 0 : index
        %swap3A_428 = tpu.vector_load %arg8[%swap3A_425, %swap3A_426, %swap3A_427] {strides = array<i32>} : memref<4x128x64xf32, #tpu.memory_space<vmem>>, vector<1x1x16xf32>,
        %swap3A_429 = vector.shape_cast %swap3A_428 : vector<1x1x16xf32> to vector<16xf32>
        %swap3A_430 = vector.shape_cast %get3A_253 : vector<16xf32> to vector<1x1x16xf32>
        tpu.vector_store %arg8[%swap3A_425, %swap3A_426, %swap3A_427], %swap3A_430 {add = true, strides = array<i32>} : memref<4x128x64xf32, #tpu.memory_space<vmem>>, vector<1x1x16xf32>,
        %swap3A_431 = arith.constant 2 : i32
        %swap3A_432 = arith.index_cast %swap3A_431 : i32 to index
        %swap3A_433 = arith.index_cast %add3A_423 : i32 to index
        %swap3A_434 = arith.constant 16 : index
        %swap3A_435 = tpu.vector_load %arg8[%swap3A_432, %swap3A_433, %swap3A_434] {strides = array<i32>} : memref<4x128x64xf32, #tpu.memory_space<vmem>>, vector<1x1x16xf32>,
        %swap3A_436 = vector.shape_cast %swap3A_435 : vector<1x1x16xf32> to vector<16xf32>
        %swap3A_437 = vector.shape_cast %get3A_257 : vector<16xf32> to vector<1x1x16xf32>
        tpu.vector_store %arg8[%swap3A_432, %swap3A_433, %swap3A_434], %swap3A_437 {add = true, strides = array<i32>} : memref<4x128x64xf32, #tpu.memory_space<vmem>>, vector<1x1x16xf32>,
        %swap3A_438 = arith.constant 2 : i32
        %swap3A_439 = arith.index_cast %swap3A_438 : i32 to index
        %swap3A_440 = arith.index_cast %add3A_423 : i32 to index
        %swap3A_441 = arith.constant 32 : index
        %swap3A_442 = tpu.vector_load %arg8[%swap3A_439, %swap3A_440, %swap3A_441] {strides = array<i32>} : memref<4x128x64xf32, #tpu.memory_space<vmem>>, vector<1x1x16xf32>,
        %swap3A_443 = vector.shape_cast %swap3A_442 : vector<1x1x16xf32> to vector<16xf32>
        %swap3A_444 = vector.shape_cast %get3A_261 : vector<16xf32> to vector<1x1x16xf32>
        tpu.vector_store %arg8[%swap3A_439, %swap3A_440, %swap3A_441], %swap3A_444 {add = true, strides = array<i32>} : memref<4x128x64xf32, #tpu.memory_space<vmem>>, vector<1x1x16xf32>,
        %swap3A_445 = arith.constant 2 : i32
        %swap3A_446 = arith.index_cast %swap3A_445 : i32 to index
        %swap3A_447 = arith.index_cast %add3A_423 : i32 to index
        %swap3A_448 = arith.constant 48 : index
        %swap3A_449 = tpu.vector_load %arg8[%swap3A_446, %swap3A_447, %swap3A_448] {strides = array<i32>} : memref<4x128x64xf32, #tpu.memory_space<vmem>>, vector<1x1x16xf32>,
        %swap3A_450 = vector.shape_cast %swap3A_449 : vector<1x1x16xf32> to vector<16xf32>
        %swap3A_451 = vector.shape_cast %get3A_265 : vector<16xf32> to vector<1x1x16xf32>
        tpu.vector_store %arg8[%swap3A_446, %swap3A_447, %swap3A_448], %swap3A_451 {add = true, strides = array<i32>} : memref<4x128x64xf32, #tpu.memory_space<vmem>>, vector<1x1x16xf32>,
        %scan3A_452 = arith.constant 3 : i32
        %scan3A_453 = arith.addi %scan3A_352, %scan3A_452 : i32
        %mul3A_454 = arith.constant 1 : i32
        %mul3A_455 = arith.muli %scan3A_453, %mul3A_454 : i32
        %add3A_456 = arith.constant 0 : i32
        %add3A_457 = arith.addi %add3A_456, %mul3A_455 : i32
        %swap3A_458 = arith.constant 2 : i32
        %swap3A_459 = arith.index_cast %swap3A_458 : i32 to index
        %swap3A_460 = arith.index_cast %add3A_457 : i32 to index
        %swap3A_461 = arith.constant 0 : index
        %swap3A_462 = tpu.vector_load %arg8[%swap3A_459, %swap3A_460, %swap3A_461] {strides = array<i32>} : memref<4x128x64xf32, #tpu.memory_space<vmem>>, vector<1x1x16xf32>,
        %swap3A_463 = vector.shape_cast %swap3A_462 : vector<1x1x16xf32> to vector<16xf32>
        %swap3A_464 = vector.shape_cast %get3A_253 : vector<16xf32> to vector<1x1x16xf32>
        tpu.vector_store %arg8[%swap3A_459, %swap3A_460, %swap3A_461], %swap3A_464 {add = true, strides = array<i32>} : memref<4x128x64xf32, #tpu.memory_space<vmem>>, vector<1x1x16xf32>,
        %swap3A_465 = arith.constant 2 : i32
        %swap3A_466 = arith.index_cast %swap3A_465 : i32 to index
        %swap3A_467 = arith.index_cast %add3A_457 : i32 to index
        %swap3A_468 = arith.constant 16 : index
        %swap3A_469 = tpu.vector_load %arg8[%swap3A_466, %swap3A_467, %swap3A_468] {strides = array<i32>} : memref<4x128x64xf32, #tpu.memory_space<vmem>>, vector<1x1x16xf32>,
        %swap3A_470 = vector.shape_cast %swap3A_469 : vector<1x1x16xf32> to vector<16xf32>
        %swap3A_471 = vector.shape_cast %get3A_257 : vector<16xf32> to vector<1x1x16xf32>
        tpu.vector_store %arg8[%swap3A_466, %swap3A_467, %swap3A_468], %swap3A_471 {add = true, strides = array<i32>} : memref<4x128x64xf32, #tpu.memory_space<vmem>>, vector<1x1x16xf32>,
        %swap3A_472 = arith.constant 2 : i32
        %swap3A_473 = arith.index_cast %swap3A_472 : i32 to index
        %swap3A_474 = arith.index_cast %add3A_457 : i32 to index
        %swap3A_475 = arith.constant 32 : index
        %swap3A_476 = tpu.vector_load %arg8[%swap3A_473, %swap3A_474, %swap3A_475] {strides = array<i32>} : memref<4x128x64xf32, #tpu.memory_space<vmem>>, vector<1x1x16xf32>,
        %swap3A_477 = vector.shape_cast %swap3A_476 : vector<1x1x16xf32> to vector<16xf32>
        %swap3A_478 = vector.shape_cast %get3A_261 : vector<16xf32> to vector<1x1x16xf32>
        tpu.vector_store %arg8[%swap3A_473, %swap3A_474, %swap3A_475], %swap3A_478 {add = true, strides = array<i32>} : memref<4x128x64xf32, #tpu.memory_space<vmem>>, vector<1x1x16xf32>,
        %swap3A_479 = arith.constant 2 : i32
        %swap3A_480 = arith.index_cast %swap3A_479 : i32 to index
        %swap3A_481 = arith.index_cast %add3A_457 : i32 to index
        %swap3A_482 = arith.constant 48 : index
        %swap3A_483 = tpu.vector_load %arg8[%swap3A_480, %swap3A_481, %swap3A_482] {strides = array<i32>} : memref<4x128x64xf32, #tpu.memory_space<vmem>>, vector<1x1x16xf32>,
        %swap3A_484 = vector.shape_cast %swap3A_483 : vector<1x1x16xf32> to vector<16xf32>
        %swap3A_485 = vector.shape_cast %get3A_265 : vector<16xf32> to vector<1x1x16xf32>
        tpu.vector_store %arg8[%swap3A_480, %swap3A_481, %swap3A_482], %swap3A_485 {add = true, strides = array<i32>} : memref<4x128x64xf32, #tpu.memory_space<vmem>>, vector<1x1x16xf32>,
        %scan3A_486 = arith.constant 4 : i32
        %scan3A_487 = arith.addi %scan3A_352, %scan3A_486 : i32
        %mul3A_488 = arith.constant 1 : i32
        %mul3A_489 = arith.muli %scan3A_487, %mul3A_488 : i32
        %add3A_490 = arith.constant 0 : i32
        %add3A_491 = arith.addi %add3A_490, %mul3A_489 : i32
        %swap3A_492 = arith.constant 2 : i32
        %swap3A_493 = arith.index_cast %swap3A_492 : i32 to index
        %swap3A_494 = arith.index_cast %add3A_491 : i32 to index
        %swap3A_495 = arith.constant 0 : index
        %swap3A_496 = tpu.vector_load %arg8[%swap3A_493, %swap3A_494, %swap3A_495] {strides = array<i32>} : memref<4x128x64xf32, #tpu.memory_space<vmem>>, vector<1x1x16xf32>,
        %swap3A_497 = vector.shape_cast %swap3A_496 : vector<1x1x16xf32> to vector<16xf32>
        %swap3A_498 = vector.shape_cast %get3A_253 : vector<16xf32> to vector<1x1x16xf32>
        tpu.vector_store %arg8[%swap3A_493, %swap3A_494, %swap3A_495], %swap3A_498 {add = true, strides = array<i32>} : memref<4x128x64xf32, #tpu.memory_space<vmem>>, vector<1x1x16xf32>,
        %swap3A_499 = arith.constant 2 : i32
        %swap3A_500 = arith.index_cast %swap3A_499 : i32 to index
        %swap3A_501 = arith.index_cast %add3A_491 : i32 to index
        %swap3A_502 = arith.constant 16 : index
        %swap3A_503 = tpu.vector_load %arg8[%swap3A_500, %swap3A_501, %swap3A_502] {strides = array<i32>} : memref<4x128x64xf32, #tpu.memory_space<vmem>>, vector<1x1x16xf32>,
        %swap3A_504 = vector.shape_cast %swap3A_503 : vector<1x1x16xf32> to vector<16xf32>
        %swap3A_505 = vector.shape_cast %get3A_257 : vector<16xf32> to vector<1x1x16xf32>
        tpu.vector_store %arg8[%swap3A_500, %swap3A_501, %swap3A_502], %swap3A_505 {add = true, strides = array<i32>} : memref<4x128x64xf32, #tpu.memory_space<vmem>>, vector<1x1x16xf32>,
        %swap3A_506 = arith.constant 2 : i32
        %swap3A_507 = arith.index_cast %swap3A_506 : i32 to index
        %swap3A_508 = arith.index_cast %add3A_491 : i32 to index
        %swap3A_509 = arith.constant 32 : index
        %swap3A_510 = tpu.vector_load %arg8[%swap3A_507, %swap3A_508, %swap3A_509] {strides = array<i32>} : memref<4x128x64xf32, #tpu.memory_space<vmem>>, vector<1x1x16xf32>,
        %swap3A_511 = vector.shape_cast %swap3A_510 : vector<1x1x16xf32> to vector<16xf32>
        %swap3A_512 = vector.shape_cast %get3A_261 : vector<16xf32> to vector<1x1x16xf32>
        tpu.vector_store %arg8[%swap3A_507, %swap3A_508, %swap3A_509], %swap3A_512 {add = true, strides = array<i32>} : memref<4x128x64xf32, #tpu.memory_space<vmem>>, vector<1x1x16xf32>,
        %swap3A_513 = arith.constant 2 : i32
        %swap3A_514 = arith.index_cast %swap3A_513 : i32 to index
        %swap3A_515 = arith.index_cast %add3A_491 : i32 to index
        %swap3A_516 = arith.constant 48 : index
        %swap3A_517 = tpu.vector_load %arg8[%swap3A_514, %swap3A_515, %swap3A_516] {strides = array<i32>} : memref<4x128x64xf32, #tpu.memory_space<vmem>>, vector<1x1x16xf32>,
        %swap3A_518 = vector.shape_cast %swap3A_517 : vector<1x1x16xf32> to vector<16xf32>
        %swap3A_519 = vector.shape_cast %get3A_265 : vector<16xf32> to vector<1x1x16xf32>
        tpu.vector_store %arg8[%swap3A_514, %swap3A_515, %swap3A_516], %swap3A_519 {add = true, strides = array<i32>} : memref<4x128x64xf32, #tpu.memory_space<vmem>>, vector<1x1x16xf32>,
        %scan3A_520 = arith.constant 5 : i32
        %scan3A_521 = arith.addi %scan3A_352, %scan3A_520 : i32
        %mul3A_522 = arith.constant 1 : i32
        %mul3A_523 = arith.muli %scan3A_521, %mul3A_522 : i32
        %add3A_524 = arith.constant 0 : i32
        %add3A_525 = arith.addi %add3A_524, %mul3A_523 : i32
        %swap3A_526 = arith.constant 2 : i32
        %swap3A_527 = arith.index_cast %swap3A_526 : i32 to index
        %swap3A_528 = arith.index_cast %add3A_525 : i32 to index
        %swap3A_529 = arith.constant 0 : index
        %swap3A_530 = tpu.vector_load %arg8[%swap3A_527, %swap3A_528, %swap3A_529] {strides = array<i32>} : memref<4x128x64xf32, #tpu.memory_space<vmem>>, vector<1x1x16xf32>,
        %swap3A_531 = vector.shape_cast %swap3A_530 : vector<1x1x16xf32> to vector<16xf32>
        %swap3A_532 = vector.shape_cast %get3A_253 : vector<16xf32> to vector<1x1x16xf32>
        tpu.vector_store %arg8[%swap3A_527, %swap3A_528, %swap3A_529], %swap3A_532 {add = true, strides = array<i32>} : memref<4x128x64xf32, #tpu.memory_space<vmem>>, vector<1x1x16xf32>,
        %swap3A_533 = arith.constant 2 : i32
        %swap3A_534 = arith.index_cast %swap3A_533 : i32 to index
        %swap3A_535 = arith.index_cast %add3A_525 : i32 to index
        %swap3A_536 = arith.constant 16 : index
        %swap3A_537 = tpu.vector_load %arg8[%swap3A_534, %swap3A_535, %swap3A_536] {strides = array<i32>} : memref<4x128x64xf32, #tpu.memory_space<vmem>>, vector<1x1x16xf32>,
        %swap3A_538 = vector.shape_cast %swap3A_537 : vector<1x1x16xf32> to vector<16xf32>
        %swap3A_539 = vector.shape_cast %get3A_257 : vector<16xf32> to vector<1x1x16xf32>
        tpu.vector_store %arg8[%swap3A_534, %swap3A_535, %swap3A_536], %swap3A_539 {add = true, strides = array<i32>} : memref<4x128x64xf32, #tpu.memory_space<vmem>>, vector<1x1x16xf32>,
        %swap3A_540 = arith.constant 2 : i32
        %swap3A_541 = arith.index_cast %swap3A_540 : i32 to index
        %swap3A_542 = arith.index_cast %add3A_525 : i32 to index
        %swap3A_543 = arith.constant 32 : index
        %swap3A_544 = tpu.vector_load %arg8[%swap3A_541, %swap3A_542, %swap3A_543] {strides = array<i32>} : memref<4x128x64xf32, #tpu.memory_space<vmem>>, vector<1x1x16xf32>,
        %swap3A_545 = vector.shape_cast %swap3A_544 : vector<1x1x16xf32> to vector<16xf32>
        %swap3A_546 = vector.shape_cast %get3A_261 : vector<16xf32> to vector<1x1x16xf32>
        tpu.vector_store %arg8[%swap3A_541, %swap3A_542, %swap3A_543], %swap3A_546 {add = true, strides = array<i32>} : memref<4x128x64xf32, #tpu.memory_space<vmem>>, vector<1x1x16xf32>,
        %swap3A_547 = arith.constant 2 : i32
        %swap3A_548 = arith.index_cast %swap3A_547 : i32 to index
        %swap3A_549 = arith.index_cast %add3A_525 : i32 to index
        %swap3A_550 = arith.constant 48 : index
        %swap3A_551 = tpu.vector_load %arg8[%swap3A_548, %swap3A_549, %swap3A_550] {strides = array<i32>} : memref<4x128x64xf32, #tpu.memory_space<vmem>>, vector<1x1x16xf32>,
        %swap3A_552 = vector.shape_cast %swap3A_551 : vector<1x1x16xf32> to vector<16xf32>
        %swap3A_553 = vector.shape_cast %get3A_265 : vector<16xf32> to vector<1x1x16xf32>
        tpu.vector_store %arg8[%swap3A_548, %swap3A_549, %swap3A_550], %swap3A_553 {add = true, strides = array<i32>} : memref<4x128x64xf32, #tpu.memory_space<vmem>>, vector<1x1x16xf32>,
        %scan3A_554 = arith.constant 6 : i32
        %scan3A_555 = arith.addi %scan3A_352, %scan3A_554 : i32
        %mul3A_556 = arith.constant 1 : i32
        %mul3A_557 = arith.muli %scan3A_555, %mul3A_556 : i32
        %add3A_558 = arith.constant 0 : i32
        %add3A_559 = arith.addi %add3A_558, %mul3A_557 : i32
        %swap3A_560 = arith.constant 2 : i32
        %swap3A_561 = arith.index_cast %swap3A_560 : i32 to index
        %swap3A_562 = arith.index_cast %add3A_559 : i32 to index
        %swap3A_563 = arith.constant 0 : index
        %swap3A_564 = tpu.vector_load %arg8[%swap3A_561, %swap3A_562, %swap3A_563] {strides = array<i32>} : memref<4x128x64xf32, #tpu.memory_space<vmem>>, vector<1x1x16xf32>,
        %swap3A_565 = vector.shape_cast %swap3A_564 : vector<1x1x16xf32> to vector<16xf32>
        %swap3A_566 = vector.shape_cast %get3A_253 : vector<16xf32> to vector<1x1x16xf32>
        tpu.vector_store %arg8[%swap3A_561, %swap3A_562, %swap3A_563], %swap3A_566 {add = true, strides = array<i32>} : memref<4x128x64xf32, #tpu.memory_space<vmem>>, vector<1x1x16xf32>,
        %swap3A_567 = arith.constant 2 : i32
        %swap3A_568 = arith.index_cast %swap3A_567 : i32 to index
        %swap3A_569 = arith.index_cast %add3A_559 : i32 to index
        %swap3A_570 = arith.constant 16 : index
        %swap3A_571 = tpu.vector_load %arg8[%swap3A_568, %swap3A_569, %swap3A_570] {strides = array<i32>} : memref<4x128x64xf32, #tpu.memory_space<vmem>>, vector<1x1x16xf32>,
        %swap3A_572 = vector.shape_cast %swap3A_571 : vector<1x1x16xf32> to vector<16xf32>
        %swap3A_573 = vector.shape_cast %get3A_257 : vector<16xf32> to vector<1x1x16xf32>
        tpu.vector_store %arg8[%swap3A_568, %swap3A_569, %swap3A_570], %swap3A_573 {add = true, strides = array<i32>} : memref<4x128x64xf32, #tpu.memory_space<vmem>>, vector<1x1x16xf32>,
        %swap3A_574 = arith.constant 2 : i32
        %swap3A_575 = arith.index_cast %swap3A_574 : i32 to index
        %swap3A_576 = arith.index_cast %add3A_559 : i32 to index
        %swap3A_577 = arith.constant 32 : index
        %swap3A_578 = tpu.vector_load %arg8[%swap3A_575, %swap3A_576, %swap3A_577] {strides = array<i32>} : memref<4x128x64xf32, #tpu.memory_space<vmem>>, vector<1x1x16xf32>,
        %swap3A_579 = vector.shape_cast %swap3A_578 : vector<1x1x16xf32> to vector<16xf32>
        %swap3A_580 = vector.shape_cast %get3A_261 : vector<16xf32> to vector<1x1x16xf32>
        tpu.vector_store %arg8[%swap3A_575, %swap3A_576, %swap3A_577], %swap3A_580 {add = true, strides = array<i32>} : memref<4x128x64xf32, #tpu.memory_space<vmem>>, vector<1x1x16xf32>,
        %swap3A_581 = arith.constant 2 : i32
        %swap3A_582 = arith.index_cast %swap3A_581 : i32 to index
        %swap3A_583 = arith.index_cast %add3A_559 : i32 to index
        %swap3A_584 = arith.constant 48 : index
        %swap3A_585 = tpu.vector_load %arg8[%swap3A_582, %swap3A_583, %swap3A_584] {strides = array<i32>} : memref<4x128x64xf32, #tpu.memory_space<vmem>>, vector<1x1x16xf32>,
        %swap3A_586 = vector.shape_cast %swap3A_585 : vector<1x1x16xf32> to vector<16xf32>
        %swap3A_587 = vector.shape_cast %get3A_265 : vector<16xf32> to vector<1x1x16xf32>
        tpu.vector_store %arg8[%swap3A_582, %swap3A_583, %swap3A_584], %swap3A_587 {add = true, strides = array<i32>} : memref<4x128x64xf32, #tpu.memory_space<vmem>>, vector<1x1x16xf32>,
        %scan3A_588 = arith.constant 7 : i32
        %scan3A_589 = arith.addi %scan3A_352, %scan3A_588 : i32
        %mul3A_590 = arith.constant 1 : i32
        %mul3A_591 = arith.muli %scan3A_589, %mul3A_590 : i32
        %add3A_592 = arith.constant 0 : i32
        %add3A_593 = arith.addi %add3A_592, %mul3A_591 : i32
        %swap3A_594 = arith.constant 2 : i32
        %swap3A_595 = arith.index_cast %swap3A_594 : i32 to index
        %swap3A_596 = arith.index_cast %add3A_593 : i32 to index
        %swap3A_597 = arith.constant 0 : index
        %swap3A_598 = tpu.vector_load %arg8[%swap3A_595, %swap3A_596, %swap3A_597] {strides = array<i32>} : memref<4x128x64xf32, #tpu.memory_space<vmem>>, vector<1x1x16xf32>,
        %swap3A_599 = vector.shape_cast %swap3A_598 : vector<1x1x16xf32> to vector<16xf32>
        %swap3A_600 = vector.shape_cast %get3A_253 : vector<16xf32> to vector<1x1x16xf32>
        tpu.vector_store %arg8[%swap3A_595, %swap3A_596, %swap3A_597], %swap3A_600 {add = true, strides = array<i32>} : memref<4x128x64xf32, #tpu.memory_space<vmem>>, vector<1x1x16xf32>,
        %swap3A_601 = arith.constant 2 : i32
        %swap3A_602 = arith.index_cast %swap3A_601 : i32 to index
        %swap3A_603 = arith.index_cast %add3A_593 : i32 to index
        %swap3A_604 = arith.constant 16 : index
        %swap3A_605 = tpu.vector_load %arg8[%swap3A_602, %swap3A_603, %swap3A_604] {strides = array<i32>} : memref<4x128x64xf32, #tpu.memory_space<vmem>>, vector<1x1x16xf32>,
        %swap3A_606 = vector.shape_cast %swap3A_605 : vector<1x1x16xf32> to vector<16xf32>
        %swap3A_607 = vector.shape_cast %get3A_257 : vector<16xf32> to vector<1x1x16xf32>
        tpu.vector_store %arg8[%swap3A_602, %swap3A_603, %swap3A_604], %swap3A_607 {add = true, strides = array<i32>} : memref<4x128x64xf32, #tpu.memory_space<vmem>>, vector<1x1x16xf32>,
        %swap3A_608 = arith.constant 2 : i32
        %swap3A_609 = arith.index_cast %swap3A_608 : i32 to index
        %swap3A_610 = arith.index_cast %add3A_593 : i32 to index
        %swap3A_611 = arith.constant 32 : index
        %swap3A_612 = tpu.vector_load %arg8[%swap3A_609, %swap3A_610, %swap3A_611] {strides = array<i32>} : memref<4x128x64xf32, #tpu.memory_space<vmem>>, vector<1x1x16xf32>,
        %swap3A_613 = vector.shape_cast %swap3A_612 : vector<1x1x16xf32> to vector<16xf32>
        %swap3A_614 = vector.shape_cast %get3A_261 : vector<16xf32> to vector<1x1x16xf32>
        tpu.vector_store %arg8[%swap3A_609, %swap3A_610, %swap3A_611], %swap3A_614 {add = true, strides = array<i32>} : memref<4x128x64xf32, #tpu.memory_space<vmem>>, vector<1x1x16xf32>,
        %swap3A_615 = arith.constant 2 : i32
        %swap3A_616 = arith.index_cast %swap3A_615 : i32 to index
        %swap3A_617 = arith.index_cast %add3A_593 : i32 to index
        %swap3A_618 = arith.constant 48 : index
        %swap3A_619 = tpu.vector_load %arg8[%swap3A_616, %swap3A_617, %swap3A_618] {strides = array<i32>} : memref<4x128x64xf32, #tpu.memory_space<vmem>>, vector<1x1x16xf32>,
        %swap3A_620 = vector.shape_cast %swap3A_619 : vector<1x1x16xf32> to vector<16xf32>
        %swap3A_621 = vector.shape_cast %get3A_265 : vector<16xf32> to vector<1x1x16xf32>
        tpu.vector_store %arg8[%swap3A_616, %swap3A_617, %swap3A_618], %swap3A_621 {add = true, strides = array<i32>} : memref<4x128x64xf32, #tpu.memory_space<vmem>>, vector<1x1x16xf32>,
      }
      %scan3A_270 = arith.constant 128 : i32
      %mul3A_271 = arith.constant 128 : i32
      %mul3A_272 = arith.muli %add3A, %mul3A_271 : i32
      %mul3A_273 = arith.constant 128 : i32
      %mul3A_274 = arith.muli %add3A_221, %mul3A_273 : i32
      %dma_start3A_275 = arith.constant 2 : i32
      %dma_start3A_276 = arith.constant 0 : i32
      %dma_start3A_277 = arith.constant 0 : i32
      %dma_start3A_278 = tpu.memref_slice %arg8[%dma_start3A_275, %dma_start3A_276, %dma_start3A_277] : memref<4x128x64xf32, #tpu.memory_space<vmem>> -> memref<1x128x64xf32, #tpu.memory_space<vmem>>
      %dma_start3A_279 = tpu.memref_squeeze %dma_start3A_278 : memref<1x128x64xf32, #tpu.memory_space<vmem>> -> memref<128x64xf32, #tpu.memory_space<vmem>>
      %dma_start3A_280 = tpu.memref_slice %arg5[%mul3A_272, %mul3A_274] : memref<4096x25600xf32, #tpu.memory_space<hbm>> -> memref<128x64xf32, #tpu.memory_space<hbm>>
      %dma_start3A_281 = tpu.memref_slice %arg5[%mul3A_272, %mul3A_274] : memref<4096x25600xf32, #tpu.memory_space<hbm>> -> memref<128x64xf32, #tpu.memory_space<hbm>>
      %dma_start3A_282 = arith.constant 0 : i32
      %dma_start3A_283 = arith.constant 0 : i32
      %dma_start3A_284 = tpu.memref_slice %arg8[%dma_start3A_275, %dma_start3A_282, %dma_start3A_283] : memref<4x128x64xf32, #tpu.memory_space<vmem>> -> memref<1x128x64xf32, #tpu.memory_space<vmem>>
      %dma_start3A_285 = tpu.memref_squeeze %dma_start3A_284 : memref<1x128x64xf32, #tpu.memory_space<vmem>> -> memref<128x64xf32, #tpu.memory_space<vmem>>
      tpu.enqueue_dma source(%dma_start3A_285 : memref<128x64xf32, #tpu.memory_space<vmem>>) target(%dma_start3A_281 : memref<128x64xf32, #tpu.memory_space<hbm>>) target_semaphore(%arg15 : memref<!tpu.dma_semaphore, #tpu.memory_space<semaphore_mem>>)
      %add3A_286 = arith.constant 3 : i32
      %add3A_287 = arith.addi %add3A_93, %add3A_286 : i32
      %add3A_288 = arith.constant 2 : i32
      %add3A_289 = arith.addi %add3A_287, %add3A_288 : i32
      %lt3A_290 = arith.constant 200 : i32
      %lt3A_291 = arith.cmpi slt, %add3A_289, %lt3A_290 : i32
      %ge3A_292 = arith.constant 2 : i32
      %ge3A_293 = arith.cmpi sge, %add3A_287, %ge3A_292 : i32
      %and3A_294 = arith.andi %lt3A_291, %ge3A_293 : i1
      %convert_element_type3A_295 = arith.extui %and3A_294 : i1 to i32
      %cond3A_296 = arith.constant 0 : i32
      %cond3A_297 = arith.cmpi ne, %convert_element_type3A_295, %cond3A_296 : i32
      scf.if %cond3A_297 {
        %sub3A = arith.constant 2 : i32
        %sub3A_352 = arith.subi %add3A_287, %sub3A : i32
        %mul3A_353 = arith.constant 128 : i32
        %mul3A_354 = arith.muli %add3A, %mul3A_353 : i32
        %mul3A_355 = arith.constant 128 : i32
        %mul3A_356 = arith.muli %sub3A_352, %mul3A_355 : i32
        %dma_wait3A_357 = arith.constant 1 : i32
        %dma_wait3A_358 = arith.constant 0 : i32
        %dma_wait3A_359 = arith.constant 0 : i32
        %dma_wait3A_360 = tpu.memref_slice %arg8[%dma_wait3A_357, %dma_wait3A_358, %dma_wait3A_359] : memref<4x128x64xf32, #tpu.memory_space<vmem>> -> memref<1x128x64xf32, #tpu.memory_space<vmem>>
        %dma_wait3A_361 = tpu.memref_squeeze %dma_wait3A_360 : memref<1x128x64xf32, #tpu.memory_space<vmem>> -> memref<128x64xf32, #tpu.memory_space<vmem>>
        %dma_wait3A_362 = tpu.memref_slice %arg5[%mul3A_354, %mul3A_356] : memref<4096x25600xf32, #tpu.memory_space<hbm>> -> memref<128x64xf32, #tpu.memory_space<hbm>>
        %dma_wait3A_363 = tpu.memref_slice %arg5[%mul3A_354, %mul3A_356] : memref<4096x25600xf32, #tpu.memory_space<hbm>> -> memref<128x64xf32, #tpu.memory_space<hbm>>
        %dma_wait3A_364 = arith.constant 0 : i32
        %dma_wait3A_365 = arith.constant 0 : i32
        %dma_wait3A_366 = tpu.memref_slice %arg8[%dma_wait3A_357, %dma_wait3A_364, %dma_wait3A_365] : memref<4x128x64xf32, #tpu.memory_space<vmem>> -> memref<1x128x64xf32, #tpu.memory_space<vmem>>
        %dma_wait3A_367 = tpu.memref_squeeze %dma_wait3A_366 : memref<1x128x64xf32, #tpu.memory_space<vmem>> -> memref<128x64xf32, #tpu.memory_space<vmem>>
        tpu.wait_dma2 semaphore(%arg14 : memref<!tpu.dma_semaphore, #tpu.memory_space<semaphore_mem>>) src(%dma_wait3A_367 : memref<128x64xf32, #tpu.memory_space<vmem>>) dst(%dma_wait3A_363 : memref<128x64xf32, #tpu.memory_space<hbm>>)
      } else {
      }
      %add3A_298 = arith.constant 2 : i32
      %add3A_299 = arith.addi %add3A_287, %add3A_298 : i32
      %lt3A_300 = arith.constant 200 : i32
      %lt3A_301 = arith.cmpi slt, %add3A_299, %lt3A_300 : i32
      %convert_element_type3A_302 = arith.extui %lt3A_301 : i1 to i32
      %cond3A_303 = arith.constant 0 : i32
      %cond3A_304 = arith.cmpi ne, %convert_element_type3A_302, %cond3A_303 : i32
      scf.if %cond3A_304 {
        %add3A_352 = arith.constant 2 : i32
        %add3A_353 = arith.addi %add3A_287, %add3A_352 : i32
        %dma_start3A_354 = arith.constant 1 : i32
        %dma_start3A_355 = arith.constant 0 : i32
        %dma_start3A_356 = arith.constant 0 : i32
        %dma_start3A_357 = tpu.memref_slice %arg8[%dma_start3A_354, %dma_start3A_355, %dma_start3A_356] : memref<4x128x64xf32, #tpu.memory_space<vmem>> -> memref<1x128x64xf32, #tpu.memory_space<vmem>>
        %dma_start3A_358 = tpu.memref_squeeze %dma_start3A_357 : memref<1x128x64xf32, #tpu.memory_space<vmem>> -> memref<128x64xf32, #tpu.memory_space<vmem>>
        %dma_start3A_359 = arith.constant 0 : i32
        %dma_start3A_360 = tpu.memref_slice %arg6[%add3A_353, %dma_start3A_359] : memref<200x128xi32, #tpu.memory_space<vmem>> -> memref<1x128xi32, #tpu.memory_space<vmem>>
        %dma_start3A_361 = tpu.memref_squeeze %dma_start3A_360 : memref<1x128xi32, #tpu.memory_space<vmem>> -> memref<128xi32, #tpu.memory_space<vmem>>
        %dma_start3A_362 = arith.constant 0 : i32
        %dma_start3A_363 = arith.constant 0 : i32
        %dma_start3A_364 = tpu.memref_slice %arg3[%dma_start3A_362, %dma_start3A_363] : memref<2000000x64xf32, #tpu.memory_space<hbm>> -> memref<2000000x64xf32, #tpu.memory_space<hbm>>
        tpu.enqueue_indirect_dma source(%dma_start3A_364 : memref<2000000x64xf32, #tpu.memory_space<hbm>>) target(%dma_start3A_358 : memref<128x64xf32, #tpu.memory_space<vmem>>) offsets(%dma_start3A_361 : memref<128xi32, #tpu.memory_space<vmem>>) semaphore(%arg10 : memref<!tpu.dma_semaphore, #tpu.memory_space<semaphore_mem>>)
      } else {
      }
      %dma_wait3A_305 = arith.constant 3 : i32
      %dma_wait3A_306 = arith.constant 0 : i32
      %dma_wait3A_307 = arith.constant 0 : i32
      %dma_wait3A_308 = tpu.memref_slice %arg8[%dma_wait3A_305, %dma_wait3A_306, %dma_wait3A_307] : memref<4x128x64xf32, #tpu.memory_space<vmem>> -> memref<1x128x64xf32, #tpu.memory_space<vmem>>
      %dma_wait3A_309 = tpu.memref_squeeze %dma_wait3A_308 : memref<1x128x64xf32, #tpu.memory_space<vmem>> -> memref<128x64xf32, #tpu.memory_space<vmem>>
      %dma_wait3A_310 = arith.constant 0 : i32
      %dma_wait3A_311 = tpu.memref_slice %arg6[%add3A_287, %dma_wait3A_310] : memref<200x128xi32, #tpu.memory_space<vmem>> -> memref<1x128xi32, #tpu.memory_space<vmem>>
      %dma_wait3A_312 = tpu.memref_squeeze %dma_wait3A_311 : memref<1x128xi32, #tpu.memory_space<vmem>> -> memref<128xi32, #tpu.memory_space<vmem>>
      %dma_wait3A_313 = arith.constant 0 : i32
      %dma_wait3A_314 = arith.constant 0 : i32
      %dma_wait3A_315 = tpu.memref_slice %arg3[%dma_wait3A_313, %dma_wait3A_314] : memref<2000000x64xf32, #tpu.memory_space<hbm>> -> memref<2000000x64xf32, #tpu.memory_space<hbm>>
      tpu.wait_indirect_dma semaphore(%arg12 : memref<!tpu.dma_semaphore, #tpu.memory_space<semaphore_mem>>) src(%dma_wait3A_315 : memref<2000000x64xf32, #tpu.memory_space<hbm>>) dst(%dma_wait3A_309 : memref<128x64xf32, #tpu.memory_space<vmem>>)
      %get3A_316 = arith.index_cast %add3A_287 : i32 to index
      %get3A_317 = arith.constant 0 : index
      %get3A_318 = tpu.vector_load %arg7[%get3A_316, %get3A_317] {strides = array<i32>} : memref<200x64xf32, #tpu.memory_space<vmem>>, vector<1x16xf32>,
      %get3A_319 = vector.shape_cast %get3A_318 : vector<1x16xf32> to vector<16xf32>
      %get3A_320 = arith.index_cast %add3A_287 : i32 to index
      %get3A_321 = arith.constant 16 : index
      %get3A_322 = tpu.vector_load %arg7[%get3A_320, %get3A_321] {strides = array<i32>} : memref<200x64xf32, #tpu.memory_space<vmem>>, vector<1x16xf32>,
      %get3A_323 = vector.shape_cast %get3A_322 : vector<1x16xf32> to vector<16xf32>
      %get3A_324 = arith.index_cast %add3A_287 : i32 to index
      %get3A_325 = arith.constant 32 : index
      %get3A_326 = tpu.vector_load %arg7[%get3A_324, %get3A_325] {strides = array<i32>} : memref<200x64xf32, #tpu.memory_space<vmem>>, vector<1x16xf32>,
      %get3A_327 = vector.shape_cast %get3A_326 : vector<1x16xf32> to vector<16xf32>
      %get3A_328 = arith.index_cast %add3A_287 : i32 to index
      %get3A_329 = arith.constant 48 : index
      %get3A_330 = tpu.vector_load %arg7[%get3A_328, %get3A_329] {strides = array<i32>} : memref<200x64xf32, #tpu.memory_space<vmem>>, vector<1x16xf32>,
      %get3A_331 = vector.shape_cast %get3A_330 : vector<1x16xf32> to vector<16xf32>
      %scan3A_332 = arith.constant 0 : i32
      %scan3A_333 = arith.constant 128 : i32
      %scan3A_334 = arith.addi %scan3A_332, %scan3A_333 : i32
      %scan3A_335 = arith.constant 8 : i32
      scf.for %scan3A_352 = %scan3A_332 to %scan3A_334 step %scan3A_335  : i32 {
        %mul3A_353 = arith.constant 1 : i32
        %mul3A_354 = arith.muli %scan3A_352, %mul3A_353 : i32
        %add3A_355 = arith.constant 0 : i32
        %add3A_356 = arith.addi %add3A_355, %mul3A_354 : i32
        %swap3A = arith.constant 3 : i32
        %swap3A_357 = arith.index_cast %swap3A : i32 to index
        %swap3A_358 = arith.index_cast %add3A_356 : i32 to index
        %swap3A_359 = arith.constant 0 : index
        %swap3A_360 = tpu.vector_load %arg8[%swap3A_357, %swap3A_358, %swap3A_359] {strides = array<i32>} : memref<4x128x64xf32, #tpu.memory_space<vmem>>, vector<1x1x16xf32>,
        %swap3A_361 = vector.shape_cast %swap3A_360 : vector<1x1x16xf32> to vector<16xf32>
        %swap3A_362 = vector.shape_cast %get3A_319 : vector<16xf32> to vector<1x1x16xf32>
        tpu.vector_store %arg8[%swap3A_357, %swap3A_358, %swap3A_359], %swap3A_362 {add = true, strides = array<i32>} : memref<4x128x64xf32, #tpu.memory_space<vmem>>, vector<1x1x16xf32>,
        %swap3A_363 = arith.constant 3 : i32
        %swap3A_364 = arith.index_cast %swap3A_363 : i32 to index
        %swap3A_365 = arith.index_cast %add3A_356 : i32 to index
        %swap3A_366 = arith.constant 16 : index
        %swap3A_367 = tpu.vector_load %arg8[%swap3A_364, %swap3A_365, %swap3A_366] {strides = array<i32>} : memref<4x128x64xf32, #tpu.memory_space<vmem>>, vector<1x1x16xf32>,
        %swap3A_368 = vector.shape_cast %swap3A_367 : vector<1x1x16xf32> to vector<16xf32>
        %swap3A_369 = vector.shape_cast %get3A_323 : vector<16xf32> to vector<1x1x16xf32>
        tpu.vector_store %arg8[%swap3A_364, %swap3A_365, %swap3A_366], %swap3A_369 {add = true, strides = array<i32>} : memref<4x128x64xf32, #tpu.memory_space<vmem>>, vector<1x1x16xf32>,
        %swap3A_370 = arith.constant 3 : i32
        %swap3A_371 = arith.index_cast %swap3A_370 : i32 to index
        %swap3A_372 = arith.index_cast %add3A_356 : i32 to index
        %swap3A_373 = arith.constant 32 : index
        %swap3A_374 = tpu.vector_load %arg8[%swap3A_371, %swap3A_372, %swap3A_373] {strides = array<i32>} : memref<4x128x64xf32, #tpu.memory_space<vmem>>, vector<1x1x16xf32>,
        %swap3A_375 = vector.shape_cast %swap3A_374 : vector<1x1x16xf32> to vector<16xf32>
        %swap3A_376 = vector.shape_cast %get3A_327 : vector<16xf32> to vector<1x1x16xf32>
        tpu.vector_store %arg8[%swap3A_371, %swap3A_372, %swap3A_373], %swap3A_376 {add = true, strides = array<i32>} : memref<4x128x64xf32, #tpu.memory_space<vmem>>, vector<1x1x16xf32>,
        %swap3A_377 = arith.constant 3 : i32
        %swap3A_378 = arith.index_cast %swap3A_377 : i32 to index
        %swap3A_379 = arith.index_cast %add3A_356 : i32 to index
        %swap3A_380 = arith.constant 48 : index
        %swap3A_381 = tpu.vector_load %arg8[%swap3A_378, %swap3A_379, %swap3A_380] {strides = array<i32>} : memref<4x128x64xf32, #tpu.memory_space<vmem>>, vector<1x1x16xf32>,
        %swap3A_382 = vector.shape_cast %swap3A_381 : vector<1x1x16xf32> to vector<16xf32>
        %swap3A_383 = vector.shape_cast %get3A_331 : vector<16xf32> to vector<1x1x16xf32>
        tpu.vector_store %arg8[%swap3A_378, %swap3A_379, %swap3A_380], %swap3A_383 {add = true, strides = array<i32>} : memref<4x128x64xf32, #tpu.memory_space<vmem>>, vector<1x1x16xf32>,
        %scan3A_384 = arith.constant 1 : i32
        %scan3A_385 = arith.addi %scan3A_352, %scan3A_384 : i32
        %mul3A_386 = arith.constant 1 : i32
        %mul3A_387 = arith.muli %scan3A_385, %mul3A_386 : i32
        %add3A_388 = arith.constant 0 : i32
        %add3A_389 = arith.addi %add3A_388, %mul3A_387 : i32
        %swap3A_390 = arith.constant 3 : i32
        %swap3A_391 = arith.index_cast %swap3A_390 : i32 to index
        %swap3A_392 = arith.index_cast %add3A_389 : i32 to index
        %swap3A_393 = arith.constant 0 : index
        %swap3A_394 = tpu.vector_load %arg8[%swap3A_391, %swap3A_392, %swap3A_393] {strides = array<i32>} : memref<4x128x64xf32, #tpu.memory_space<vmem>>, vector<1x1x16xf32>,
        %swap3A_395 = vector.shape_cast %swap3A_394 : vector<1x1x16xf32> to vector<16xf32>
        %swap3A_396 = vector.shape_cast %get3A_319 : vector<16xf32> to vector<1x1x16xf32>
        tpu.vector_store %arg8[%swap3A_391, %swap3A_392, %swap3A_393], %swap3A_396 {add = true, strides = array<i32>} : memref<4x128x64xf32, #tpu.memory_space<vmem>>, vector<1x1x16xf32>,
        %swap3A_397 = arith.constant 3 : i32
        %swap3A_398 = arith.index_cast %swap3A_397 : i32 to index
        %swap3A_399 = arith.index_cast %add3A_389 : i32 to index
        %swap3A_400 = arith.constant 16 : index
        %swap3A_401 = tpu.vector_load %arg8[%swap3A_398, %swap3A_399, %swap3A_400] {strides = array<i32>} : memref<4x128x64xf32, #tpu.memory_space<vmem>>, vector<1x1x16xf32>,
        %swap3A_402 = vector.shape_cast %swap3A_401 : vector<1x1x16xf32> to vector<16xf32>
        %swap3A_403 = vector.shape_cast %get3A_323 : vector<16xf32> to vector<1x1x16xf32>
        tpu.vector_store %arg8[%swap3A_398, %swap3A_399, %swap3A_400], %swap3A_403 {add = true, strides = array<i32>} : memref<4x128x64xf32, #tpu.memory_space<vmem>>, vector<1x1x16xf32>,
        %swap3A_404 = arith.constant 3 : i32
        %swap3A_405 = arith.index_cast %swap3A_404 : i32 to index
        %swap3A_406 = arith.index_cast %add3A_389 : i32 to index
        %swap3A_407 = arith.constant 32 : index
        %swap3A_408 = tpu.vector_load %arg8[%swap3A_405, %swap3A_406, %swap3A_407] {strides = array<i32>} : memref<4x128x64xf32, #tpu.memory_space<vmem>>, vector<1x1x16xf32>,
        %swap3A_409 = vector.shape_cast %swap3A_408 : vector<1x1x16xf32> to vector<16xf32>
        %swap3A_410 = vector.shape_cast %get3A_327 : vector<16xf32> to vector<1x1x16xf32>
        tpu.vector_store %arg8[%swap3A_405, %swap3A_406, %swap3A_407], %swap3A_410 {add = true, strides = array<i32>} : memref<4x128x64xf32, #tpu.memory_space<vmem>>, vector<1x1x16xf32>,
        %swap3A_411 = arith.constant 3 : i32
        %swap3A_412 = arith.index_cast %swap3A_411 : i32 to index
        %swap3A_413 = arith.index_cast %add3A_389 : i32 to index
        %swap3A_414 = arith.constant 48 : index
        %swap3A_415 = tpu.vector_load %arg8[%swap3A_412, %swap3A_413, %swap3A_414] {strides = array<i32>} : memref<4x128x64xf32, #tpu.memory_space<vmem>>, vector<1x1x16xf32>,
        %swap3A_416 = vector.shape_cast %swap3A_415 : vector<1x1x16xf32> to vector<16xf32>
        %swap3A_417 = vector.shape_cast %get3A_331 : vector<16xf32> to vector<1x1x16xf32>
        tpu.vector_store %arg8[%swap3A_412, %swap3A_413, %swap3A_414], %swap3A_417 {add = true, strides = array<i32>} : memref<4x128x64xf32, #tpu.memory_space<vmem>>, vector<1x1x16xf32>,
        %scan3A_418 = arith.constant 2 : i32
        %scan3A_419 = arith.addi %scan3A_352, %scan3A_418 : i32
        %mul3A_420 = arith.constant 1 : i32
        %mul3A_421 = arith.muli %scan3A_419, %mul3A_420 : i32
        %add3A_422 = arith.constant 0 : i32
        %add3A_423 = arith.addi %add3A_422, %mul3A_421 : i32
        %swap3A_424 = arith.constant 3 : i32
        %swap3A_425 = arith.index_cast %swap3A_424 : i32 to index
        %swap3A_426 = arith.index_cast %add3A_423 : i32 to index
        %swap3A_427 = arith.constant 0 : index
        %swap3A_428 = tpu.vector_load %arg8[%swap3A_425, %swap3A_426, %swap3A_427] {strides = array<i32>} : memref<4x128x64xf32, #tpu.memory_space<vmem>>, vector<1x1x16xf32>,
        %swap3A_429 = vector.shape_cast %swap3A_428 : vector<1x1x16xf32> to vector<16xf32>
        %swap3A_430 = vector.shape_cast %get3A_319 : vector<16xf32> to vector<1x1x16xf32>
        tpu.vector_store %arg8[%swap3A_425, %swap3A_426, %swap3A_427], %swap3A_430 {add = true, strides = array<i32>} : memref<4x128x64xf32, #tpu.memory_space<vmem>>, vector<1x1x16xf32>,
        %swap3A_431 = arith.constant 3 : i32
        %swap3A_432 = arith.index_cast %swap3A_431 : i32 to index
        %swap3A_433 = arith.index_cast %add3A_423 : i32 to index
        %swap3A_434 = arith.constant 16 : index
        %swap3A_435 = tpu.vector_load %arg8[%swap3A_432, %swap3A_433, %swap3A_434] {strides = array<i32>} : memref<4x128x64xf32, #tpu.memory_space<vmem>>, vector<1x1x16xf32>,
        %swap3A_436 = vector.shape_cast %swap3A_435 : vector<1x1x16xf32> to vector<16xf32>
        %swap3A_437 = vector.shape_cast %get3A_323 : vector<16xf32> to vector<1x1x16xf32>
        tpu.vector_store %arg8[%swap3A_432, %swap3A_433, %swap3A_434], %swap3A_437 {add = true, strides = array<i32>} : memref<4x128x64xf32, #tpu.memory_space<vmem>>, vector<1x1x16xf32>,
        %swap3A_438 = arith.constant 3 : i32
        %swap3A_439 = arith.index_cast %swap3A_438 : i32 to index
        %swap3A_440 = arith.index_cast %add3A_423 : i32 to index
        %swap3A_441 = arith.constant 32 : index
        %swap3A_442 = tpu.vector_load %arg8[%swap3A_439, %swap3A_440, %swap3A_441] {strides = array<i32>} : memref<4x128x64xf32, #tpu.memory_space<vmem>>, vector<1x1x16xf32>,
        %swap3A_443 = vector.shape_cast %swap3A_442 : vector<1x1x16xf32> to vector<16xf32>
        %swap3A_444 = vector.shape_cast %get3A_327 : vector<16xf32> to vector<1x1x16xf32>
        tpu.vector_store %arg8[%swap3A_439, %swap3A_440, %swap3A_441], %swap3A_444 {add = true, strides = array<i32>} : memref<4x128x64xf32, #tpu.memory_space<vmem>>, vector<1x1x16xf32>,
        %swap3A_445 = arith.constant 3 : i32
        %swap3A_446 = arith.index_cast %swap3A_445 : i32 to index
        %swap3A_447 = arith.index_cast %add3A_423 : i32 to index
        %swap3A_448 = arith.constant 48 : index
        %swap3A_449 = tpu.vector_load %arg8[%swap3A_446, %swap3A_447, %swap3A_448] {strides = array<i32>} : memref<4x128x64xf32, #tpu.memory_space<vmem>>, vector<1x1x16xf32>,
        %swap3A_450 = vector.shape_cast %swap3A_449 : vector<1x1x16xf32> to vector<16xf32>
        %swap3A_451 = vector.shape_cast %get3A_331 : vector<16xf32> to vector<1x1x16xf32>
        tpu.vector_store %arg8[%swap3A_446, %swap3A_447, %swap3A_448], %swap3A_451 {add = true, strides = array<i32>} : memref<4x128x64xf32, #tpu.memory_space<vmem>>, vector<1x1x16xf32>,
        %scan3A_452 = arith.constant 3 : i32
        %scan3A_453 = arith.addi %scan3A_352, %scan3A_452 : i32
        %mul3A_454 = arith.constant 1 : i32
        %mul3A_455 = arith.muli %scan3A_453, %mul3A_454 : i32
        %add3A_456 = arith.constant 0 : i32
        %add3A_457 = arith.addi %add3A_456, %mul3A_455 : i32
        %swap3A_458 = arith.constant 3 : i32
        %swap3A_459 = arith.index_cast %swap3A_458 : i32 to index
        %swap3A_460 = arith.index_cast %add3A_457 : i32 to index
        %swap3A_461 = arith.constant 0 : index
        %swap3A_462 = tpu.vector_load %arg8[%swap3A_459, %swap3A_460, %swap3A_461] {strides = array<i32>} : memref<4x128x64xf32, #tpu.memory_space<vmem>>, vector<1x1x16xf32>,
        %swap3A_463 = vector.shape_cast %swap3A_462 : vector<1x1x16xf32> to vector<16xf32>
        %swap3A_464 = vector.shape_cast %get3A_319 : vector<16xf32> to vector<1x1x16xf32>
        tpu.vector_store %arg8[%swap3A_459, %swap3A_460, %swap3A_461], %swap3A_464 {add = true, strides = array<i32>} : memref<4x128x64xf32, #tpu.memory_space<vmem>>, vector<1x1x16xf32>,
        %swap3A_465 = arith.constant 3 : i32
        %swap3A_466 = arith.index_cast %swap3A_465 : i32 to index
        %swap3A_467 = arith.index_cast %add3A_457 : i32 to index
        %swap3A_468 = arith.constant 16 : index
        %swap3A_469 = tpu.vector_load %arg8[%swap3A_466, %swap3A_467, %swap3A_468] {strides = array<i32>} : memref<4x128x64xf32, #tpu.memory_space<vmem>>, vector<1x1x16xf32>,
        %swap3A_470 = vector.shape_cast %swap3A_469 : vector<1x1x16xf32> to vector<16xf32>
        %swap3A_471 = vector.shape_cast %get3A_323 : vector<16xf32> to vector<1x1x16xf32>
        tpu.vector_store %arg8[%swap3A_466, %swap3A_467, %swap3A_468], %swap3A_471 {add = true, strides = array<i32>} : memref<4x128x64xf32, #tpu.memory_space<vmem>>, vector<1x1x16xf32>,
        %swap3A_472 = arith.constant 3 : i32
        %swap3A_473 = arith.index_cast %swap3A_472 : i32 to index
        %swap3A_474 = arith.index_cast %add3A_457 : i32 to index
        %swap3A_475 = arith.constant 32 : index
        %swap3A_476 = tpu.vector_load %arg8[%swap3A_473, %swap3A_474, %swap3A_475] {strides = array<i32>} : memref<4x128x64xf32, #tpu.memory_space<vmem>>, vector<1x1x16xf32>,
        %swap3A_477 = vector.shape_cast %swap3A_476 : vector<1x1x16xf32> to vector<16xf32>
        %swap3A_478 = vector.shape_cast %get3A_327 : vector<16xf32> to vector<1x1x16xf32>
        tpu.vector_store %arg8[%swap3A_473, %swap3A_474, %swap3A_475], %swap3A_478 {add = true, strides = array<i32>} : memref<4x128x64xf32, #tpu.memory_space<vmem>>, vector<1x1x16xf32>,
        %swap3A_479 = arith.constant 3 : i32
        %swap3A_480 = arith.index_cast %swap3A_479 : i32 to index
        %swap3A_481 = arith.index_cast %add3A_457 : i32 to index
        %swap3A_482 = arith.constant 48 : index
        %swap3A_483 = tpu.vector_load %arg8[%swap3A_480, %swap3A_481, %swap3A_482] {strides = array<i32>} : memref<4x128x64xf32, #tpu.memory_space<vmem>>, vector<1x1x16xf32>,
        %swap3A_484 = vector.shape_cast %swap3A_483 : vector<1x1x16xf32> to vector<16xf32>
        %swap3A_485 = vector.shape_cast %get3A_331 : vector<16xf32> to vector<1x1x16xf32>
        tpu.vector_store %arg8[%swap3A_480, %swap3A_481, %swap3A_482], %swap3A_485 {add = true, strides = array<i32>} : memref<4x128x64xf32, #tpu.memory_space<vmem>>, vector<1x1x16xf32>,
        %scan3A_486 = arith.constant 4 : i32
        %scan3A_487 = arith.addi %scan3A_352, %scan3A_486 : i32
        %mul3A_488 = arith.constant 1 : i32
        %mul3A_489 = arith.muli %scan3A_487, %mul3A_488 : i32
        %add3A_490 = arith.constant 0 : i32
        %add3A_491 = arith.addi %add3A_490, %mul3A_489 : i32
        %swap3A_492 = arith.constant 3 : i32
        %swap3A_493 = arith.index_cast %swap3A_492 : i32 to index
        %swap3A_494 = arith.index_cast %add3A_491 : i32 to index
        %swap3A_495 = arith.constant 0 : index
        %swap3A_496 = tpu.vector_load %arg8[%swap3A_493, %swap3A_494, %swap3A_495] {strides = array<i32>} : memref<4x128x64xf32, #tpu.memory_space<vmem>>, vector<1x1x16xf32>,
        %swap3A_497 = vector.shape_cast %swap3A_496 : vector<1x1x16xf32> to vector<16xf32>
        %swap3A_498 = vector.shape_cast %get3A_319 : vector<16xf32> to vector<1x1x16xf32>
        tpu.vector_store %arg8[%swap3A_493, %swap3A_494, %swap3A_495], %swap3A_498 {add = true, strides = array<i32>} : memref<4x128x64xf32, #tpu.memory_space<vmem>>, vector<1x1x16xf32>,
        %swap3A_499 = arith.constant 3 : i32
        %swap3A_500 = arith.index_cast %swap3A_499 : i32 to index
        %swap3A_501 = arith.index_cast %add3A_491 : i32 to index
        %swap3A_502 = arith.constant 16 : index
        %swap3A_503 = tpu.vector_load %arg8[%swap3A_500, %swap3A_501, %swap3A_502] {strides = array<i32>} : memref<4x128x64xf32, #tpu.memory_space<vmem>>, vector<1x1x16xf32>,
        %swap3A_504 = vector.shape_cast %swap3A_503 : vector<1x1x16xf32> to vector<16xf32>
        %swap3A_505 = vector.shape_cast %get3A_323 : vector<16xf32> to vector<1x1x16xf32>
        tpu.vector_store %arg8[%swap3A_500, %swap3A_501, %swap3A_502], %swap3A_505 {add = true, strides = array<i32>} : memref<4x128x64xf32, #tpu.memory_space<vmem>>, vector<1x1x16xf32>,
        %swap3A_506 = arith.constant 3 : i32
        %swap3A_507 = arith.index_cast %swap3A_506 : i32 to index
        %swap3A_508 = arith.index_cast %add3A_491 : i32 to index
        %swap3A_509 = arith.constant 32 : index
        %swap3A_510 = tpu.vector_load %arg8[%swap3A_507, %swap3A_508, %swap3A_509] {strides = array<i32>} : memref<4x128x64xf32, #tpu.memory_space<vmem>>, vector<1x1x16xf32>,
        %swap3A_511 = vector.shape_cast %swap3A_510 : vector<1x1x16xf32> to vector<16xf32>
        %swap3A_512 = vector.shape_cast %get3A_327 : vector<16xf32> to vector<1x1x16xf32>
        tpu.vector_store %arg8[%swap3A_507, %swap3A_508, %swap3A_509], %swap3A_512 {add = true, strides = array<i32>} : memref<4x128x64xf32, #tpu.memory_space<vmem>>, vector<1x1x16xf32>,
        %swap3A_513 = arith.constant 3 : i32
        %swap3A_514 = arith.index_cast %swap3A_513 : i32 to index
        %swap3A_515 = arith.index_cast %add3A_491 : i32 to index
        %swap3A_516 = arith.constant 48 : index
        %swap3A_517 = tpu.vector_load %arg8[%swap3A_514, %swap3A_515, %swap3A_516] {strides = array<i32>} : memref<4x128x64xf32, #tpu.memory_space<vmem>>, vector<1x1x16xf32>,
        %swap3A_518 = vector.shape_cast %swap3A_517 : vector<1x1x16xf32> to vector<16xf32>
        %swap3A_519 = vector.shape_cast %get3A_331 : vector<16xf32> to vector<1x1x16xf32>
        tpu.vector_store %arg8[%swap3A_514, %swap3A_515, %swap3A_516], %swap3A_519 {add = true, strides = array<i32>} : memref<4x128x64xf32, #tpu.memory_space<vmem>>, vector<1x1x16xf32>,
        %scan3A_520 = arith.constant 5 : i32
        %scan3A_521 = arith.addi %scan3A_352, %scan3A_520 : i32
        %mul3A_522 = arith.constant 1 : i32
        %mul3A_523 = arith.muli %scan3A_521, %mul3A_522 : i32
        %add3A_524 = arith.constant 0 : i32
        %add3A_525 = arith.addi %add3A_524, %mul3A_523 : i32
        %swap3A_526 = arith.constant 3 : i32
        %swap3A_527 = arith.index_cast %swap3A_526 : i32 to index
        %swap3A_528 = arith.index_cast %add3A_525 : i32 to index
        %swap3A_529 = arith.constant 0 : index
        %swap3A_530 = tpu.vector_load %arg8[%swap3A_527, %swap3A_528, %swap3A_529] {strides = array<i32>} : memref<4x128x64xf32, #tpu.memory_space<vmem>>, vector<1x1x16xf32>,
        %swap3A_531 = vector.shape_cast %swap3A_530 : vector<1x1x16xf32> to vector<16xf32>
        %swap3A_532 = vector.shape_cast %get3A_319 : vector<16xf32> to vector<1x1x16xf32>
        tpu.vector_store %arg8[%swap3A_527, %swap3A_528, %swap3A_529], %swap3A_532 {add = true, strides = array<i32>} : memref<4x128x64xf32, #tpu.memory_space<vmem>>, vector<1x1x16xf32>,
        %swap3A_533 = arith.constant 3 : i32
        %swap3A_534 = arith.index_cast %swap3A_533 : i32 to index
        %swap3A_535 = arith.index_cast %add3A_525 : i32 to index
        %swap3A_536 = arith.constant 16 : index
        %swap3A_537 = tpu.vector_load %arg8[%swap3A_534, %swap3A_535, %swap3A_536] {strides = array<i32>} : memref<4x128x64xf32, #tpu.memory_space<vmem>>, vector<1x1x16xf32>,
        %swap3A_538 = vector.shape_cast %swap3A_537 : vector<1x1x16xf32> to vector<16xf32>
        %swap3A_539 = vector.shape_cast %get3A_323 : vector<16xf32> to vector<1x1x16xf32>
        tpu.vector_store %arg8[%swap3A_534, %swap3A_535, %swap3A_536], %swap3A_539 {add = true, strides = array<i32>} : memref<4x128x64xf32, #tpu.memory_space<vmem>>, vector<1x1x16xf32>,
        %swap3A_540 = arith.constant 3 : i32
        %swap3A_541 = arith.index_cast %swap3A_540 : i32 to index
        %swap3A_542 = arith.index_cast %add3A_525 : i32 to index
        %swap3A_543 = arith.constant 32 : index
        %swap3A_544 = tpu.vector_load %arg8[%swap3A_541, %swap3A_542, %swap3A_543] {strides = array<i32>} : memref<4x128x64xf32, #tpu.memory_space<vmem>>, vector<1x1x16xf32>,
        %swap3A_545 = vector.shape_cast %swap3A_544 : vector<1x1x16xf32> to vector<16xf32>
        %swap3A_546 = vector.shape_cast %get3A_327 : vector<16xf32> to vector<1x1x16xf32>
        tpu.vector_store %arg8[%swap3A_541, %swap3A_542, %swap3A_543], %swap3A_546 {add = true, strides = array<i32>} : memref<4x128x64xf32, #tpu.memory_space<vmem>>, vector<1x1x16xf32>,
        %swap3A_547 = arith.constant 3 : i32
        %swap3A_548 = arith.index_cast %swap3A_547 : i32 to index
        %swap3A_549 = arith.index_cast %add3A_525 : i32 to index
        %swap3A_550 = arith.constant 48 : index
        %swap3A_551 = tpu.vector_load %arg8[%swap3A_548, %swap3A_549, %swap3A_550] {strides = array<i32>} : memref<4x128x64xf32, #tpu.memory_space<vmem>>, vector<1x1x16xf32>,
        %swap3A_552 = vector.shape_cast %swap3A_551 : vector<1x1x16xf32> to vector<16xf32>
        %swap3A_553 = vector.shape_cast %get3A_331 : vector<16xf32> to vector<1x1x16xf32>
        tpu.vector_store %arg8[%swap3A_548, %swap3A_549, %swap3A_550], %swap3A_553 {add = true, strides = array<i32>} : memref<4x128x64xf32, #tpu.memory_space<vmem>>, vector<1x1x16xf32>,
        %scan3A_554 = arith.constant 6 : i32
        %scan3A_555 = arith.addi %scan3A_352, %scan3A_554 : i32
        %mul3A_556 = arith.constant 1 : i32
        %mul3A_557 = arith.muli %scan3A_555, %mul3A_556 : i32
        %add3A_558 = arith.constant 0 : i32
        %add3A_559 = arith.addi %add3A_558, %mul3A_557 : i32
        %swap3A_560 = arith.constant 3 : i32
        %swap3A_561 = arith.index_cast %swap3A_560 : i32 to index
        %swap3A_562 = arith.index_cast %add3A_559 : i32 to index
        %swap3A_563 = arith.constant 0 : index
        %swap3A_564 = tpu.vector_load %arg8[%swap3A_561, %swap3A_562, %swap3A_563] {strides = array<i32>} : memref<4x128x64xf32, #tpu.memory_space<vmem>>, vector<1x1x16xf32>,
        %swap3A_565 = vector.shape_cast %swap3A_564 : vector<1x1x16xf32> to vector<16xf32>
        %swap3A_566 = vector.shape_cast %get3A_319 : vector<16xf32> to vector<1x1x16xf32>
        tpu.vector_store %arg8[%swap3A_561, %swap3A_562, %swap3A_563], %swap3A_566 {add = true, strides = array<i32>} : memref<4x128x64xf32, #tpu.memory_space<vmem>>, vector<1x1x16xf32>,
        %swap3A_567 = arith.constant 3 : i32
        %swap3A_568 = arith.index_cast %swap3A_567 : i32 to index
        %swap3A_569 = arith.index_cast %add3A_559 : i32 to index
        %swap3A_570 = arith.constant 16 : index
        %swap3A_571 = tpu.vector_load %arg8[%swap3A_568, %swap3A_569, %swap3A_570] {strides = array<i32>} : memref<4x128x64xf32, #tpu.memory_space<vmem>>, vector<1x1x16xf32>,
        %swap3A_572 = vector.shape_cast %swap3A_571 : vector<1x1x16xf32> to vector<16xf32>
        %swap3A_573 = vector.shape_cast %get3A_323 : vector<16xf32> to vector<1x1x16xf32>
        tpu.vector_store %arg8[%swap3A_568, %swap3A_569, %swap3A_570], %swap3A_573 {add = true, strides = array<i32>} : memref<4x128x64xf32, #tpu.memory_space<vmem>>, vector<1x1x16xf32>,
        %swap3A_574 = arith.constant 3 : i32
        %swap3A_575 = arith.index_cast %swap3A_574 : i32 to index
        %swap3A_576 = arith.index_cast %add3A_559 : i32 to index
        %swap3A_577 = arith.constant 32 : index
        %swap3A_578 = tpu.vector_load %arg8[%swap3A_575, %swap3A_576, %swap3A_577] {strides = array<i32>} : memref<4x128x64xf32, #tpu.memory_space<vmem>>, vector<1x1x16xf32>,
        %swap3A_579 = vector.shape_cast %swap3A_578 : vector<1x1x16xf32> to vector<16xf32>
        %swap3A_580 = vector.shape_cast %get3A_327 : vector<16xf32> to vector<1x1x16xf32>
        tpu.vector_store %arg8[%swap3A_575, %swap3A_576, %swap3A_577], %swap3A_580 {add = true, strides = array<i32>} : memref<4x128x64xf32, #tpu.memory_space<vmem>>, vector<1x1x16xf32>,
        %swap3A_581 = arith.constant 3 : i32
        %swap3A_582 = arith.index_cast %swap3A_581 : i32 to index
        %swap3A_583 = arith.index_cast %add3A_559 : i32 to index
        %swap3A_584 = arith.constant 48 : index
        %swap3A_585 = tpu.vector_load %arg8[%swap3A_582, %swap3A_583, %swap3A_584] {strides = array<i32>} : memref<4x128x64xf32, #tpu.memory_space<vmem>>, vector<1x1x16xf32>,
        %swap3A_586 = vector.shape_cast %swap3A_585 : vector<1x1x16xf32> to vector<16xf32>
        %swap3A_587 = vector.shape_cast %get3A_331 : vector<16xf32> to vector<1x1x16xf32>
        tpu.vector_store %arg8[%swap3A_582, %swap3A_583, %swap3A_584], %swap3A_587 {add = true, strides = array<i32>} : memref<4x128x64xf32, #tpu.memory_space<vmem>>, vector<1x1x16xf32>,
        %scan3A_588 = arith.constant 7 : i32
        %scan3A_589 = arith.addi %scan3A_352, %scan3A_588 : i32
        %mul3A_590 = arith.constant 1 : i32
        %mul3A_591 = arith.muli %scan3A_589, %mul3A_590 : i32
        %add3A_592 = arith.constant 0 : i32
        %add3A_593 = arith.addi %add3A_592, %mul3A_591 : i32
        %swap3A_594 = arith.constant 3 : i32
        %swap3A_595 = arith.index_cast %swap3A_594 : i32 to index
        %swap3A_596 = arith.index_cast %add3A_593 : i32 to index
        %swap3A_597 = arith.constant 0 : index
        %swap3A_598 = tpu.vector_load %arg8[%swap3A_595, %swap3A_596, %swap3A_597] {strides = array<i32>} : memref<4x128x64xf32, #tpu.memory_space<vmem>>, vector<1x1x16xf32>,
        %swap3A_599 = vector.shape_cast %swap3A_598 : vector<1x1x16xf32> to vector<16xf32>
        %swap3A_600 = vector.shape_cast %get3A_319 : vector<16xf32> to vector<1x1x16xf32>
        tpu.vector_store %arg8[%swap3A_595, %swap3A_596, %swap3A_597], %swap3A_600 {add = true, strides = array<i32>} : memref<4x128x64xf32, #tpu.memory_space<vmem>>, vector<1x1x16xf32>,
        %swap3A_601 = arith.constant 3 : i32
        %swap3A_602 = arith.index_cast %swap3A_601 : i32 to index
        %swap3A_603 = arith.index_cast %add3A_593 : i32 to index
        %swap3A_604 = arith.constant 16 : index
        %swap3A_605 = tpu.vector_load %arg8[%swap3A_602, %swap3A_603, %swap3A_604] {strides = array<i32>} : memref<4x128x64xf32, #tpu.memory_space<vmem>>, vector<1x1x16xf32>,
        %swap3A_606 = vector.shape_cast %swap3A_605 : vector<1x1x16xf32> to vector<16xf32>
        %swap3A_607 = vector.shape_cast %get3A_323 : vector<16xf32> to vector<1x1x16xf32>
        tpu.vector_store %arg8[%swap3A_602, %swap3A_603, %swap3A_604], %swap3A_607 {add = true, strides = array<i32>} : memref<4x128x64xf32, #tpu.memory_space<vmem>>, vector<1x1x16xf32>,
        %swap3A_608 = arith.constant 3 : i32
        %swap3A_609 = arith.index_cast %swap3A_608 : i32 to index
        %swap3A_610 = arith.index_cast %add3A_593 : i32 to index
        %swap3A_611 = arith.constant 32 : index
        %swap3A_612 = tpu.vector_load %arg8[%swap3A_609, %swap3A_610, %swap3A_611] {strides = array<i32>} : memref<4x128x64xf32, #tpu.memory_space<vmem>>, vector<1x1x16xf32>,
        %swap3A_613 = vector.shape_cast %swap3A_612 : vector<1x1x16xf32> to vector<16xf32>
        %swap3A_614 = vector.shape_cast %get3A_327 : vector<16xf32> to vector<1x1x16xf32>
        tpu.vector_store %arg8[%swap3A_609, %swap3A_610, %swap3A_611], %swap3A_614 {add = true, strides = array<i32>} : memref<4x128x64xf32, #tpu.memory_space<vmem>>, vector<1x1x16xf32>,
        %swap3A_615 = arith.constant 3 : i32
        %swap3A_616 = arith.index_cast %swap3A_615 : i32 to index
        %swap3A_617 = arith.index_cast %add3A_593 : i32 to index
        %swap3A_618 = arith.constant 48 : index
        %swap3A_619 = tpu.vector_load %arg8[%swap3A_616, %swap3A_617, %swap3A_618] {strides = array<i32>} : memref<4x128x64xf32, #tpu.memory_space<vmem>>, vector<1x1x16xf32>,
        %swap3A_620 = vector.shape_cast %swap3A_619 : vector<1x1x16xf32> to vector<16xf32>
        %swap3A_621 = vector.shape_cast %get3A_331 : vector<16xf32> to vector<1x1x16xf32>
        tpu.vector_store %arg8[%swap3A_616, %swap3A_617, %swap3A_618], %swap3A_621 {add = true, strides = array<i32>} : memref<4x128x64xf32, #tpu.memory_space<vmem>>, vector<1x1x16xf32>,
      }
      %scan3A_336 = arith.constant 128 : i32
      %mul3A_337 = arith.constant 128 : i32
      %mul3A_338 = arith.muli %add3A, %mul3A_337 : i32
      %mul3A_339 = arith.constant 128 : i32
      %mul3A_340 = arith.muli %add3A_287, %mul3A_339 : i32
      %dma_start3A_341 = arith.constant 3 : i32
      %dma_start3A_342 = arith.constant 0 : i32
      %dma_start3A_343 = arith.constant 0 : i32
      %dma_start3A_344 = tpu.memref_slice %arg8[%dma_start3A_341, %dma_start3A_342, %dma_start3A_343] : memref<4x128x64xf32, #tpu.memory_space<vmem>> -> memref<1x128x64xf32, #tpu.memory_space<vmem>>
      %dma_start3A_345 = tpu.memref_squeeze %dma_start3A_344 : memref<1x128x64xf32, #tpu.memory_space<vmem>> -> memref<128x64xf32, #tpu.memory_space<vmem>>
      %dma_start3A_346 = tpu.memref_slice %arg5[%mul3A_338, %mul3A_340] : memref<4096x25600xf32, #tpu.memory_space<hbm>> -> memref<128x64xf32, #tpu.memory_space<hbm>>
      %dma_start3A_347 = tpu.memref_slice %arg5[%mul3A_338, %mul3A_340] : memref<4096x25600xf32, #tpu.memory_space<hbm>> -> memref<128x64xf32, #tpu.memory_space<hbm>>
      %dma_start3A_348 = arith.constant 0 : i32
      %dma_start3A_349 = arith.constant 0 : i32
      %dma_start3A_350 = tpu.memref_slice %arg8[%dma_start3A_341, %dma_start3A_348, %dma_start3A_349] : memref<4x128x64xf32, #tpu.memory_space<vmem>> -> memref<1x128x64xf32, #tpu.memory_space<vmem>>
      %dma_start3A_351 = tpu.memref_squeeze %dma_start3A_350 : memref<1x128x64xf32, #tpu.memory_space<vmem>> -> memref<128x64xf32, #tpu.memory_space<vmem>>
      tpu.enqueue_dma source(%dma_start3A_351 : memref<128x64xf32, #tpu.memory_space<vmem>>) target(%dma_start3A_347 : memref<128x64xf32, #tpu.memory_space<hbm>>) target_semaphore(%arg16 : memref<!tpu.dma_semaphore, #tpu.memory_space<semaphore_mem>>)
    }
    %scan3A_29 = arith.constant 50 : i32
    %mul3A_30 = arith.constant 128 : i32
    %mul3A_31 = arith.muli %add3A, %mul3A_30 : i32
    %dma_wait3A = arith.constant 0 : i32
    %dma_wait3A_32 = arith.constant 0 : i32
    %dma_wait3A_33 = arith.constant 0 : i32
    %dma_wait3A_34 = tpu.memref_slice %arg8[%dma_wait3A, %dma_wait3A_32, %dma_wait3A_33] : memref<4x128x64xf32, #tpu.memory_space<vmem>> -> memref<1x128x64xf32, #tpu.memory_space<vmem>>
    %dma_wait3A_35 = tpu.memref_squeeze %dma_wait3A_34 : memref<1x128x64xf32, #tpu.memory_space<vmem>> -> memref<128x64xf32, #tpu.memory_space<vmem>>
    %dma_wait3A_36 = arith.constant 25088 : i32
    %dma_wait3A_37 = tpu.memref_slice %arg5[%mul3A_31, %dma_wait3A_36] : memref<4096x25600xf32, #tpu.memory_space<hbm>> -> memref<128x64xf32, #tpu.memory_space<hbm>>
    %dma_wait3A_38 = arith.constant 25088 : i32
    %dma_wait3A_39 = tpu.memref_slice %arg5[%mul3A_31, %dma_wait3A_38] : memref<4096x25600xf32, #tpu.memory_space<hbm>> -> memref<128x64xf32, #tpu.memory_space<hbm>>
    %dma_wait3A_40 = arith.constant 0 : i32
    %dma_wait3A_41 = arith.constant 0 : i32
    %dma_wait3A_42 = tpu.memref_slice %arg8[%dma_wait3A, %dma_wait3A_40, %dma_wait3A_41] : memref<4x128x64xf32, #tpu.memory_space<vmem>> -> memref<1x128x64xf32, #tpu.memory_space<vmem>>
    %dma_wait3A_43 = tpu.memref_squeeze %dma_wait3A_42 : memref<1x128x64xf32, #tpu.memory_space<vmem>> -> memref<128x64xf32, #tpu.memory_space<vmem>>
    tpu.wait_dma2 semaphore(%arg13 : memref<!tpu.dma_semaphore, #tpu.memory_space<semaphore_mem>>) src(%dma_wait3A_43 : memref<128x64xf32, #tpu.memory_space<vmem>>) dst(%dma_wait3A_39 : memref<128x64xf32, #tpu.memory_space<hbm>>)
    %mul3A_44 = arith.constant 128 : i32
    %mul3A_45 = arith.muli %add3A, %mul3A_44 : i32
    %dma_wait3A_46 = arith.constant 1 : i32
    %dma_wait3A_47 = arith.constant 0 : i32
    %dma_wait3A_48 = arith.constant 0 : i32
    %dma_wait3A_49 = tpu.memref_slice %arg8[%dma_wait3A_46, %dma_wait3A_47, %dma_wait3A_48] : memref<4x128x64xf32, #tpu.memory_space<vmem>> -> memref<1x128x64xf32, #tpu.memory_space<vmem>>
    %dma_wait3A_50 = tpu.memref_squeeze %dma_wait3A_49 : memref<1x128x64xf32, #tpu.memory_space<vmem>> -> memref<128x64xf32, #tpu.memory_space<vmem>>
    %dma_wait3A_51 = arith.constant 25216 : i32
    %dma_wait3A_52 = tpu.memref_slice %arg5[%mul3A_45, %dma_wait3A_51] : memref<4096x25600xf32, #tpu.memory_space<hbm>> -> memref<128x64xf32, #tpu.memory_space<hbm>>
    %dma_wait3A_53 = arith.constant 25216 : i32
    %dma_wait3A_54 = tpu.memref_slice %arg5[%mul3A_45, %dma_wait3A_53] : memref<4096x25600xf32, #tpu.memory_space<hbm>> -> memref<128x64xf32, #tpu.memory_space<hbm>>
    %dma_wait3A_55 = arith.constant 0 : i32
    %dma_wait3A_56 = arith.constant 0 : i32
    %dma_wait3A_57 = tpu.memref_slice %arg8[%dma_wait3A_46, %dma_wait3A_55, %dma_wait3A_56] : memref<4x128x64xf32, #tpu.memory_space<vmem>> -> memref<1x128x64xf32, #tpu.memory_space<vmem>>
    %dma_wait3A_58 = tpu.memref_squeeze %dma_wait3A_57 : memref<1x128x64xf32, #tpu.memory_space<vmem>> -> memref<128x64xf32, #tpu.memory_space<vmem>>
    tpu.wait_dma2 semaphore(%arg14 : memref<!tpu.dma_semaphore, #tpu.memory_space<semaphore_mem>>) src(%dma_wait3A_58 : memref<128x64xf32, #tpu.memory_space<vmem>>) dst(%dma_wait3A_54 : memref<128x64xf32, #tpu.memory_space<hbm>>)
    %mul3A_59 = arith.constant 128 : i32
    %mul3A_60 = arith.muli %add3A, %mul3A_59 : i32
    %dma_wait3A_61 = arith.constant 2 : i32
    %dma_wait3A_62 = arith.constant 0 : i32
    %dma_wait3A_63 = arith.constant 0 : i32
    %dma_wait3A_64 = tpu.memref_slice %arg8[%dma_wait3A_61, %dma_wait3A_62, %dma_wait3A_63] : memref<4x128x64xf32, #tpu.memory_space<vmem>> -> memref<1x128x64xf32, #tpu.memory_space<vmem>>
    %dma_wait3A_65 = tpu.memref_squeeze %dma_wait3A_64 : memref<1x128x64xf32, #tpu.memory_space<vmem>> -> memref<128x64xf32, #tpu.memory_space<vmem>>
    %dma_wait3A_66 = arith.constant 25344 : i32
    %dma_wait3A_67 = tpu.memref_slice %arg5[%mul3A_60, %dma_wait3A_66] : memref<4096x25600xf32, #tpu.memory_space<hbm>> -> memref<128x64xf32, #tpu.memory_space<hbm>>
    %dma_wait3A_68 = arith.constant 25344 : i32
    %dma_wait3A_69 = tpu.memref_slice %arg5[%mul3A_60, %dma_wait3A_68] : memref<4096x25600xf32, #tpu.memory_space<hbm>> -> memref<128x64xf32, #tpu.memory_space<hbm>>
    %dma_wait3A_70 = arith.constant 0 : i32
    %dma_wait3A_71 = arith.constant 0 : i32
    %dma_wait3A_72 = tpu.memref_slice %arg8[%dma_wait3A_61, %dma_wait3A_70, %dma_wait3A_71] : memref<4x128x64xf32, #tpu.memory_space<vmem>> -> memref<1x128x64xf32, #tpu.memory_space<vmem>>
    %dma_wait3A_73 = tpu.memref_squeeze %dma_wait3A_72 : memref<1x128x64xf32, #tpu.memory_space<vmem>> -> memref<128x64xf32, #tpu.memory_space<vmem>>
    tpu.wait_dma2 semaphore(%arg15 : memref<!tpu.dma_semaphore, #tpu.memory_space<semaphore_mem>>) src(%dma_wait3A_73 : memref<128x64xf32, #tpu.memory_space<vmem>>) dst(%dma_wait3A_69 : memref<128x64xf32, #tpu.memory_space<hbm>>)
    %mul3A_74 = arith.constant 128 : i32
    %mul3A_75 = arith.muli %add3A, %mul3A_74 : i32
    %dma_wait3A_76 = arith.constant 3 : i32
    %dma_wait3A_77 = arith.constant 0 : i32
    %dma_wait3A_78 = arith.constant 0 : i32
    %dma_wait3A_79 = tpu.memref_slice %arg8[%dma_wait3A_76, %dma_wait3A_77, %dma_wait3A_78] : memref<4x128x64xf32, #tpu.memory_space<vmem>> -> memref<1x128x64xf32, #tpu.memory_space<vmem>>
    %dma_wait3A_80 = tpu.memref_squeeze %dma_wait3A_79 : memref<1x128x64xf32, #tpu.memory_space<vmem>> -> memref<128x64xf32, #tpu.memory_space<vmem>>
    %dma_wait3A_81 = arith.constant 25472 : i32
    %dma_wait3A_82 = tpu.memref_slice %arg5[%mul3A_75, %dma_wait3A_81] : memref<4096x25600xf32, #tpu.memory_space<hbm>> -> memref<128x64xf32, #tpu.memory_space<hbm>>
    %dma_wait3A_83 = arith.constant 25472 : i32
    %dma_wait3A_84 = tpu.memref_slice %arg5[%mul3A_75, %dma_wait3A_83] : memref<4096x25600xf32, #tpu.memory_space<hbm>> -> memref<128x64xf32, #tpu.memory_space<hbm>>
    %dma_wait3A_85 = arith.constant 0 : i32
    %dma_wait3A_86 = arith.constant 0 : i32
    %dma_wait3A_87 = tpu.memref_slice %arg8[%dma_wait3A_76, %dma_wait3A_85, %dma_wait3A_86] : memref<4x128x64xf32, #tpu.memory_space<vmem>> -> memref<1x128x64xf32, #tpu.memory_space<vmem>>
    %dma_wait3A_88 = tpu.memref_squeeze %dma_wait3A_87 : memref<1x128x64xf32, #tpu.memory_space<vmem>> -> memref<128x64xf32, #tpu.memory_space<vmem>>
    tpu.wait_dma2 semaphore(%arg16 : memref<!tpu.dma_semaphore, #tpu.memory_space<semaphore_mem>>) src(%dma_wait3A_88 : memref<128x64xf32, #tpu.memory_space<vmem>>) dst(%dma_wait3A_84 : memref<128x64xf32, #tpu.memory_space<hbm>>)
    return
  }
}

module attributes {stable_mosaic.version = 14 : i64} {
  func.func @_pad_body(%arg0: i32, %arg1: memref<1000x64xf32, #tpu.memory_space<vmem>>, %arg2: memref<1000x128xf32, #tpu.memory_space<vmem>>) attributes {dimension_semantics = [#tpu.dimension_semantics<arbitrary>], iteration_bounds = array<i64: 1000>, scalar_prefetch = 0 : i64, scratch_operands = 0 : i64, tpu.core_type = #tpu.core_type<tc>, window_params = [{transform_indices = @transform_0, window_bounds = array<i64: 1000, 64>}, {transform_indices = @transform_1, window_bounds = array<i64: 1000, 128>}]} {
    %get3A = arith.constant 0 : index
    %get3A_0 = arith.constant 0 : index
    %get3A_1 = vector.load %arg1[%get3A, %get3A_0] : memref<1000x64xf32, #tpu.memory_space<vmem>>, vector<1000x64xf32>
    %jit3A = arith.constant 0 : i32
    %convert_element_type3A = arith.sitofp %jit3A : i32 to f32
    %pad3A = vector.broadcast %convert_element_type3A : f32 to vector<1000x64xf32>
    %pad3A_2 = tpu.concatenate %get3A_1, %pad3A in 1 : vector<1000x64xf32>, vector<1000x64xf32> -> vector<1000x128xf32>
    %swap3A = arith.constant 0 : index
    %swap3A_3 = arith.constant 0 : index
    %swap3A_4 = vector.load %arg2[%swap3A, %swap3A_3] : memref<1000x128xf32, #tpu.memory_space<vmem>>, vector<1000x128xf32>
    tpu.vector_store %arg2[%swap3A, %swap3A_3], %pad3A_2 {strides = array<i32>} : memref<1000x128xf32, #tpu.memory_space<vmem>>, vector<1000x128xf32>,
    return
  }
  func.func @transform_0(%arg0: i32) -> (i32, i32) {
    %c0_i32 = arith.constant 0 : i32
    %c0_i32_0 = arith.constant 0 : i32
    return %arg0, %c0_i32 : i32, i32
  }
  func.func @transform_1(%arg0: i32) -> (i32, i32) {
    %c0_i32 = arith.constant 0 : i32
    %c0_i32_0 = arith.constant 0 : i32
    return %arg0, %c0_i32 : i32, i32
  }
}

</mosaic_0001>

<sc_bundles>
// kernel: kernel.4.cloned.1.call-start
scs
__scs_entry_jumppad:
0x0: {  	(pc) =	sbr.rel $0x88, $3  }
0x1: {  	(tag) =	ssettag $0x0;
	lr =	simm.s32 $0x1  }
0x2: {  	[smem:$0x3F9E] =	sst lr;
	_ =	strace $0xD0000000  }
0x3: {  	_ = 	snop  }
0x4: {  	_ = 	snop  }
0x5: {  	_ = 	snop  }
0x6: {  	_ = 	snop  }
0x7: {  	_ = 	snop  }
__scs_overlays_trampoline_lowered:
0x8: {  	[smem:$0x3FAD] =	sst s0  }
0x9: {  	[smem:$0x3FAE] =	sst s1  }
0xa: {  	[smem:$0x3FAF] =	sst s2  }
0xb: {  	[smem:$0x3FB0] =	sst s3  }
0xc: {  	[smem:$0x3FB1] =	sst s4  }
0xd: {  	[smem:$0x3FB2] =	sst s5  }
0xe: {  	[smem:$0x3FB3] =	sst s6  }
0xf: {  	[smem:$0x3FB4] =	sst s7  }
0x10: {  	[smem:$0x3FB5] =	sst s8  }
0x11: {  	[smem:$0x3FB6] =	sst s9;
	s0 =	simm.s32 @!p0 $0x0  }
0x12: {  	s1 =	sld [smem:$0x3F9C];
	s0 =	simm.s32 @p0 $0x1  }
0x13: {  	[smem:$0x3FB7] =	sst s0;
	s0 =	simm.s32 @!p1 $0x0  }
0x14: {  	s2 =	sld [smem:$0x3F9B];
	s0 =	simm.s32 @p1 $0x1  }
0x15: {  	[smem:$0x3FB8] =	sst s0;
	s0 =	simm.s32 @!p2 $0x0  }
0x16: {  	s3 =	sld [smem:$0x3FDB];
	s0 =	simm.s32 @p2 $0x1  }
0x17: {  	s4 =	simm.s32 $0x1BF5;
	[smem:$0x3FBA] =	sst s0  }
0x18: {  	s0 =	sld [smem:$0x3F9D];
	_ =	swait.ge [sflag:s4], $0x0  }
0x19: {  	s7 =	sld [smem:$0x3F9E]  }
0x1a: {  	s8 =	sadd.s32 $0xFFFFE003, lr  }
0x1b: {  	s9 =	sadd.s32 $0xFFFFFEF7, lr;
	s5 =	simm.s32 $0xFFFFFFFF;
	p2 =	slt.u32 s8, $0xFFFFF086  }
0x1c: {  	p1 =	slt.u32 s9, $0xF7A;
	s5 =	simm.s32 @!p2 $0x0  }
0x1d: {  	s5 =	simm.s32 @p1 $0x1;
	p0 =	seq.s32 s7, s2  }
0x1e: {  	s7 =	smul.u32 @!p0 $0xF7A, s2;
	p2 =	seq.s32 @!p0 s5, $0x0  }
0x1f: {  	s9 =	smul.u32 $0xF7A, s1;
	s8 =	simm.s32 @!p0 $0x1BF5;
	p2 =	por !p2, p0  }
0x20: {  	[sflag:s8] =	ssyncset.s32 @!p0 $0xFFFFF086;
	s6 =	sadd.s32 @!p0 s3, s7;
	s7 =	simm.s32 @!p0 $0x108  }
0x21: {  	s3 =	sadd.s32 s3, s9;
	s6 =	sadd.s32 @!p0 $0x88, s6;
	s7 =	simm.s32 @p2 $0x1082  }
0x22: {  	[simem:s7], [sflag:s8] =	dma.local @!p0 [hbm:s6], $0xF7A  }
0x23: {  	s9 =	sor.u32 $0xD0000000, s2;
	s6 =	simm.s32 $0x108;
	_ =	swait.ge @!p0 [sflag:s8], $0x0  }
0x24: {  	s3 =	sadd.s32 $0x88, s3;
	s6 =	simm.s32 @!p1 $0x1082;
	[sflag:s4] =	ssyncset.s32 $0xFFFFF086  }
0x25: {  	[simem:s6], [sflag:s4] =	dma.local [hbm:s3], $0xF7A  }
0x26: {  	[smem:$0x3F9E] =	sst s1;
	(tag) =	ssettag s2;
	_ =	strace s9  }
0x27: {  	s1 =	sld [smem:$0x3FAE]  }
0x28: {  	s2 =	sld [smem:$0x3FAF]  }
0x29: {  	s4 =	sld [smem:$0x3FB1]  }
0x2a: {  	p0 =	seq.s32 s5, $0x0;
	s5 =	sld [smem:$0x3FB2]  }
0x2b: {  	s6 =	sld [smem:$0x3FB3]  }
0x2c: {  	s7 =	sld [smem:$0x3FB4]  }
0x2d: {  	s3 =	simm.s32 $0x108;
	s8 =	sld [smem:$0x3FB5]  }
0x2e: {  	s3 =	simm.s32 @!p0 $0x1082;
	s9 =	sld [smem:$0x3FB6]  }
0x2f: {  	lr =	sadd.s32 s0, s3;
	s0 =	sld [smem:$0x3FAD]  }
0x30: {  	s3 =	sld [smem:$0x3FB0]  }
0x31: {  	[smem:$0x3FB9] =	sst s10  }
0x32: {  	s10 =	sld [smem:$0x3FB7];
	_ =	sdelay $0x3  }
0x33: {  	p0 =	seq.s32 s10, $0x1;
	s10 =	sld [smem:$0x3FB9];
	_ =	sdelay $0x3  }
0x34: {  	[smem:$0x3FB9] =	sst s10  }
0x35: {  	s10 =	sld [smem:$0x3FB8];
	_ =	sdelay $0x3  }
0x36: {  	p1 =	seq.s32 s10, $0x1;
	s10 =	sld [smem:$0x3FB9];
	_ =	sdelay $0x3  }
0x37: {  	[smem:$0x3FB9] =	sst s10  }
0x38: {  	s10 =	sld [smem:$0x3FBA]  }
0x39: {  	_ = 	snop;
	(pc) =	sbr.ind lr, $3  }
0x3a: {  	_ = 	snop  }
0x3b: {  	_ = 	snop  }
0x3c: {  	p2 =	seq.s32 s10, $0x1;
	s10 =	sld [smem:$0x3FB9]  }
0x3d: {  	_ =	shalt  }
0x3e: {  	_ =	shalt  }
0x3f: {  	_ =	shalt  }
0x40: {  	_ =	shalt  }
0x41: {  	_ =	shalt  }
0x42: {  	_ =	shalt  }
0x43: {  	_ =	shalt  }
0x44: {  	_ =	shalt  }
0x45: {  	_ =	shalt  }
0x46: {  	_ =	shalt  }
0x47: {  	_ =	shalt  }
0x48: {  	_ =	shalt  }
0x49: {  	_ =	shalt  }
0x4a: {  	_ =	shalt  }
0x4b: {  	_ =	shalt  }
0x4c: {  	_ =	shalt  }
0x4d: {  	_ =	shalt  }
0x4e: {  	_ =	shalt  }
0x4f: {  	_ =	shalt  }
0x50: {  	_ =	shalt  }
0x51: {  	_ =	shalt  }
0x52: {  	_ =	shalt  }
0x53: {  	_ =	shalt  }
0x54: {  	_ =	shalt  }
0x55: {  	_ =	shalt  }
0x56: {  	_ =	shalt  }
0x57: {  	_ =	shalt  }
0x58: {  	_ =	shalt  }
0x59: {  	_ =	shalt  }
0x5a: {  	_ =	shalt  }
0x5b: {  	_ =	shalt  }
0x5c: {  	_ =	shalt  }
0x5d: {  	_ =	shalt  }
0x5e: {  	_ =	shalt  }
0x5f: {  	_ =	shalt  }
0x60: {  	_ =	shalt  }
0x61: {  	_ =	shalt  }
0x62: {  	_ =	shalt  }
0x63: {  	_ =	shalt  }
0x64: {  	_ =	shalt  }
0x65: {  	_ =	shalt  }
0x66: {  	_ =	shalt  }
0x67: {  	_ =	shalt  }
0x68: {  	_ =	shalt  }
0x69: {  	_ =	shalt  }
0x6a: {  	_ =	shalt  }
0x6b: {  	_ =	shalt  }
0x6c: {  	_ =	shalt  }
0x6d: {  	_ =	shalt  }
0x6e: {  	_ =	shalt  }
0x6f: {  	_ =	shalt  }
0x70: {  	_ =	shalt  }
0x71: {  	_ =	shalt  }
0x72: {  	_ =	shalt  }
0x73: {  	_ =	shalt  }
0x74: {  	_ =	shalt  }
0x75: {  	_ =	shalt  }
0x76: {  	_ =	shalt  }
0x77: {  	_ =	shalt  }
0x78: {  	_ =	shalt  }
0x79: {  	_ =	shalt  }
0x7a: {  	_ =	shalt  }
0x7b: {  	_ =	shalt  }
0x7c: {  	_ =	shalt  }
0x7d: {  	_ =	shalt  }
0x7e: {  	_ =	shalt  }
0x7f: {  	_ =	shalt  }
0x80: {  	_ =	shalt  }
0x81: {  	_ =	shalt  }
0x82: {  	_ =	shalt  }
0x83: {  	_ =	shalt  }
0x84: {  	_ =	shalt  }
0x85: {  	_ =	shalt  }
0x86: {  	_ =	shalt  }
0x87: {  	_ =	shalt  }
.Lfunc_end0:
.L_simem_size_0:
called_computation.1_lowered:
.L_overlay_start_0:
0x88: {  	s2 =	sld [smem:$0x3FD9]  }
0x89: {  	s3 =	sld [smem:$0x3FFE];
	_ =	sdelay $0x1  }
0x8a: {  	s1 =	srdreg.scid  }
0x8b: {  	s0 =	sand.u32 $0x1, s1  }
0x8c: {  	s17 =	sshll.u32 s0, $0xA;
	s2 =	sadd.s32 s3, s2  }
0x8d: {  	s2 =	sadd.s32 s2, s17  }
0x8e: {  	[smem:$0x3FC5] =	sst s2  }
0x8f: {  	_ = 	snop  }
0x90: {  	s2 =	sld [smem:$0x3FD0];
	(tm) =	ssettm $0x1  }
0x91: {  	s18 =	sld [smem:$0x3FFB];
	_ =	sdelay $0x3  }
0x92: {  	_ =	strace s18  }
0x93: {  	s3 =	sld [smem:$0x3FFC];
	_ =	sdelay $0x3  }
0x94: {  	_ =	strace s3  }
0x95: {  	s3 =	sld [smem:$0x3FFD];
	_ =	sdelay $0x3  }
0x96: {  	_ =	strace s3  }
0x97: {  	_ =	strace $0x8FFFFFFF  }
0x98: {  	s19 =	sld [smem:$0x3FDB];
	_ =	sdelay $0x1  }
0x99: {  	s4 =	simm.s32 $_scs_section_size  }
0x9a: {  	s5 =	simm.s32 $_size__tile_overlayer_lowered;
	s6 =	simm.s32 $_tile_overlayer_lowered  }
0x9b: {  	s22 =	simm.s32 $0x1BFF;
	s21 =	sshll.u32 s6, $0x1;
	s3 =	sadd.s32 s4, s19  }
0x9c: {  	s7 =	simm.s32 $0x0;
	s20 =	sshll.u32 s5, $0x1;
	s5 =	sadd.s32 s21, s3  }
0x9d: {  	[timem:s7], [sflag:s22] =	dma.local [hbm:s5], s20  }
0x9e: {  	_ =	swait.ge [sflag:s22], s20  }
0x9f: {  	s4 =	ssub.s32 $0x0, s20;
	[sflag:s22] =	ssyncset.done $0x0  }
0xa0: {  	[sflag:s22] =	ssyncadd.s32 s4;
	_ =	sdelay $0x1  }
0xa1: {  	s23 =	simm.s32 $0x1B8B  }
0xa2: {  	_ =	swait.ge [sflag:s23], $0x1  }
0xa3: {  	[sflag:s23] =	ssyncset.done $0x0  }
0xa4: {  	s25 =	simm.s32 $0x1B8E;
	s24 =	sld [smem:$0x3FFE];
	[sflag:s23] =	ssyncadd.s32 $0xFFFFFFFF  }
0xa5: {  	s26 =	simm.s32 $execute0_lowered;
	[smem:$0x3FD2] =	sst s25  }
0xa6: {  	s5 =	sshll.u32 s26, $0x1;
	_ =	strace $0x80000046;
	[dreg:$0x1] =	wrdreg $0xFFFFFFFF  }
0xa7: {  	s28 =	simm.s32 $_size_execute0_lowered;
	s3 =	sadd.s32 s3, s5;
	[dreg:$0x0] =	wrdreg $0x0  }
0xa8: {  	s5 =	sshll.u32 s28, $0x1;
	[dreg:$0x2] =	wrdreg s3  }
0xa9: {  	[dreg:$0x3] =	wrdreg s5  }
0xaa: {  	[dreg:$0x4] =	wrdreg $0xC0  }
0xab: {  	_ =	task [dreg:s7], $0x5FFFF  }
0xac: {  	[dreg:$0x1] =	wrdreg $0xFFFFFFFF  }
0xad: {  	[dreg:$0x0] =	wrdreg $0x60  }
0xae: {  	[dreg:$0x2] =	wrdreg s2  }
0xaf: {  	[dreg:$0x3] =	wrdreg s24  }
0xb0: {  	[dreg:$0x4] =	wrdreg $0x9  }
0xb1: {  	_ =	task.clear_ibuf [dreg:s7], $0x5FFFF;
	_ =	strace $0x90000046  }
0xb2: {  	s29 =	simm.s32 $0x9;
	_ =	strace $0x80000048  }
0xb3: {  	_ =	swait.ge [sflag:s29], $0x1  }
0xb4: {  	[sflag:s29] =	ssyncadd.s32 $0xFFFFFFFF  }
0xb5: {  	_ =	strace $0x90000048  }
0xb6: {  	_ =	sfence  }
0xb7: {  	s30 =	sld [smem:$0x0];
	_ =	sdelay $0x2  }
0xb8: {  	s31 =	sshll.u32 s1, $0xD;
	s1 =	sshrl.u32 s1, $0x2  }
0xb9: {  	s3 =	sand.u32 $0x4000, s31;
	s1 =	sadd.s32 s1, s30  }
0xba: {  	s0 =	sor.u32 s3, s0;
	s1 =	sshll.u32 s1, $0x11  }
0xbb: {  	s0 =	sor.u32 s1, s0  }
0xbc: {  	s0 =	sadd.s32 $0x8F2B, s0  }
0xbd: {  	[sflag:s0] =	ssyncadd.remote.s32 $0x1  }
0xbe: {  	_ =	sfence.sel $0xFFFF  }
0xbf: {  	[dreg:$0x0] =	wrdreg $0xFFFFFFFF;
	(pc) =	sbr.abs _section_cstart, $3  }
0xc0: {  	[dreg:$0x1] =	wrdreg $0xFFFFFFFF  }
0xc1: {  	_ =	task.clear_ibuf [dreg:s7], $0x2FFFF;
	_ =	strace $0x9FFFFFFF  }
0xc2: {  	(tm) =	ssettm $0x7FFFFFFF  }
0xc3: {  	_ =	shalt  }
tec
execute0_lowered:
.L_overlay_start_1:
0x0: {  	(tag) =	ssettag $0x1  }
0x1: {  	s0 =	rddreg [dreg:$0x0]  }
0x2: {  	s2 =	rddreg [dreg:$0x1];
	s1 =	simm.s32 $0x0;
	s4 =	srdreg.scid  }
0x3: {  	s5 =	stileid.u32;
	s9 =	simm.s32 $0x6400;
	s10 =	simm.s32 $0x9  }
0x4: {  	s11 =	simm.s32 $0x80;
	s13 =	simm.s32 $0x9600;
	s14 =	simm.s32 $0xB600  }
0x5: {  	s15 =	simm.s32 $0xD600;
	s16 =	simm.s32 $0x1;
	s17 =	simm.s32 $0x40  }
0x6: {  	s18 =	simm.s32 $0xF600;
	s19 =	simm.s32 $0x2;
	s20 =	simm.s32 $0x3  }
0x7: {  	s21 =	simm.s32 $0x4;
	s22 =	simm.s32 $0x5;
	s23 =	simm.s32 $0x6  }
0x8: {  	s24 =	simm.s32 $0x7;
	s25 =	simm.s32 $0x8;
	s26 =	simm.s32 $0x0  }
0x9: {  	[smem:$0x7FF] =	sst s1;
	s3 =	sadd.s32 $0xF43000, s2;
	s4 =	sand.u32 $0x1, s4  }
0xa: {  	s5 =	sshll.u32 s5, $0x8;
	s6 =	ssub.s32 $0x2, s4;
	s4 =	sshll.u32 s4, $0x7  }
0xb: {  	s7 =	sadd.s32 $0xC00, s2;
	_ =	strace $0x80000047;
	s4 =	sor.u32 s4, s5  }
0xc: {  	[dreg:$0x3] =	wrdreg s7;
	s29 =	sshrl.u32 s6, $0x1;
	s31 =	sshrl.u32 s4, $0x3  }
0xd: {  	s5 =	sadd.s32 $0x1400, s2;
	s30 =	ssub.s32 s6, s29;
	s0 =	sadd.s32 s0, s31  }
0xe: {  	s7 =	smul.u32 $0x6400, s4;
	s8 =	smax.u32 s30, $0x1;
	[dreg:$0x4] =	wrdreg s0  }
.LBB2_1:
0xf: {  	s0 =	rddreg [dreg:$0x3]  }
0x10: {  	[tilespmem:s9], [sflag:$0x9] =	stream.linear.gather [hbm4b:s0+s1], $0x3200, $0x38;
	[tilespmem:$0x11600] =	vst v63  }
0x11: {  	_ =	swait.ge [sflag:s10], $0x3200  }
0x12: {  	[sflag:s10] =	ssyncset.done $0x0  }
0x13: {  	s2 =	simm.s32 $0x1000;
	s31 =	rddreg [dreg:$0x4];
	[sflag:s10] =	ssyncadd.s32 $0xFFFFCE00  }
0x14: {  	[tilespmem:s1], [sflag:$0x9] =	stream.strided.gather [hbm4b:s31+s11], $0x6400, s2, s11, $0x38;
	[tilespmem:$0x11600] =	vst v63  }
0x15: {  	_ =	swait.ge [sflag:s10], $0x6400  }
0x16: {  	[sflag:s10] =	ssyncset.done $0x0  }
0x17: {  	[sflag:s10] =	ssyncadd.s32 $0xFFFF9C00  }
0x18: {  	[tilespmem:s13], [sflag:$0x1] =	stream.indirect.gather [hbm4b:s3+s11], $0x40, s1, s11, $0xb8;
	[tilespmem:$0x11600] =	vst v63  }
0x19: {  	s28 =	simm.s32 $0x0  }
0x1a: {  	[tilespmem:s14], [sflag:$0x2] =	stream.indirect.gather [hbm4b:s3+s11], $0x40, s11, s11, $0xb8;
	[tilespmem:$0x11600] =	vst v63  }
.LBB2_2:
0x1b: {  	p0 =	seq.s32 s28, $0x0  }
0x1c: {  	s2 =	sshll.u32 s28, $0x2;
	s0 =	simm.s32 @!p0 $0x7  }
0x1d: {  	s31 =	sor.u32 $0x2, s2;
	_ =	swait.ge @!p0 [sflag:s0], $0x2000  }
0x1e: {  	s29 =	sshll.u32 s31, $0x7;
	[sflag:s0] =	ssyncset.done @!p0 $0x0  }
0x1f: {  	s12 =	sand.u32 $0x3FFFFF80, s29;
	[sflag:s0] =	ssyncadd.s32 @!p0 $0xFFFFE000  }
0x20: {  	[tilespmem:s15], [sflag:$0x3] =	stream.indirect.gather [hbm4b:s3+s11], $0x40, s12, s11, $0xb8;
	[tilespmem:$0x11600] =	vst v63  }
0x21: {  	_ =	swait.ge [sflag:s16], $0x2000  }
0x22: {  	s30 =	sshll.u32 s28, $0x8;
	[sflag:s16] =	ssyncset.done $0x0  }
0x23: {  	s0 =	sand.u32 $0x3FFFFF00, s30;
	[sflag:s16] =	ssyncadd.s32 $0xFFFFE000  }
0x24: {  	v1 =	vld [tilespmem:s0+$0x6400]  }
0x25: {  	v2 =	vld [tilespmem:s0+$0x6430]  }
0x26: {  	v3 =	vld [tilespmem:s0+$0x6420]  }
0x27: {  	v0 =	vld [tilespmem:s0+$0x6410]  }
0x28: {  	s0 =	simm.s32 $0x9600  }
0x29: {  	[tilespmem:s0+$0x0] =	vst.add.f32.msk $0xffff, v1  }
0x2a: {  	[tilespmem:s0+$0x1F0] =	vst.add.f32.msk $0xffff, v2  }
0x2b: {  	[tilespmem:s0+$0x1E0] =	vst.add.f32.msk $0xffff, v3  }
0x2c: {  	[tilespmem:s0+$0x1D0] =	vst.add.f32.msk $0xffff, v0  }
0x2d: {  	[tilespmem:s0+$0x1C0] =	vst.add.f32.msk $0xffff, v1  }
0x2e: {  	[tilespmem:s0+$0x1B0] =	vst.add.f32.msk $0xffff, v2  }
0x2f: {  	[tilespmem:s0+$0x1A0] =	vst.add.f32.msk $0xffff, v3  }
0x30: {  	[tilespmem:s0+$0x190] =	vst.add.f32.msk $0xffff, v0  }
0x31: {  	[tilespmem:s0+$0x180] =	vst.add.f32.msk $0xffff, v1  }
0x32: {  	[tilespmem:s0+$0x170] =	vst.add.f32.msk $0xffff, v2  }
0x33: {  	[tilespmem:s0+$0x160] =	vst.add.f32.msk $0xffff, v3  }
0x34: {  	[tilespmem:s0+$0x150] =	vst.add.f32.msk $0xffff, v0  }
0x35: {  	[tilespmem:s0+$0x140] =	vst.add.f32.msk $0xffff, v1  }
0x36: {  	[tilespmem:s0+$0x130] =	vst.add.f32.msk $0xffff, v2  }
0x37: {  	[tilespmem:s0+$0x120] =	vst.add.f32.msk $0xffff, v3  }
0x38: {  	[tilespmem:s0+$0x110] =	vst.add.f32.msk $0xffff, v0  }
0x39: {  	[tilespmem:s0+$0x100] =	vst.add.f32.msk $0xffff, v1  }
0x3a: {  	[tilespmem:s0+$0xF0] =	vst.add.f32.msk $0xffff, v2  }
0x3b: {  	[tilespmem:s0+$0xE0] =	vst.add.f32.msk $0xffff, v3  }
0x3c: {  	[tilespmem:s0+$0xD0] =	vst.add.f32.msk $0xffff, v0  }
0x3d: {  	[tilespmem:s0+$0xC0] =	vst.add.f32.msk $0xffff, v1  }
0x3e: {  	[tilespmem:s0+$0xB0] =	vst.add.f32.msk $0xffff, v2  }
0x3f: {  	[tilespmem:s0+$0xA0] =	vst.add.f32.msk $0xffff, v3  }
0x40: {  	[tilespmem:s0+$0x90] =	vst.add.f32.msk $0xffff, v0  }
0x41: {  	[tilespmem:s0+$0x80] =	vst.add.f32.msk $0xffff, v1  }
0x42: {  	[tilespmem:s0+$0x70] =	vst.add.f32.msk $0xffff, v2  }
0x43: {  	[tilespmem:s0+$0x60] =	vst.add.f32.msk $0xffff, v3  }
0x44: {  	[tilespmem:s0+$0x50] =	vst.add.f32.msk $0xffff, v0  }
0x45: {  	[tilespmem:s0+$0x40] =	vst.add.f32.msk $0xffff, v1  }
0x46: {  	[tilespmem:s0+$0x30] =	vst.add.f32.msk $0xffff, v2  }
0x47: {  	s12 =	simm.s32 $0x0;
	[tilespmem:s0+$0x20] =	vst.add.f32.msk $0xffff, v3  }
.LBB2_3:
0x48: {  	s12 =	sadd.s32 $0x8, s12;
	[tilespmem:s0+$0x10] =	vst.add.f32.msk $0xffff, v0;
	s0 =	sadd.s32 $0x200, s0  }
0x49: {  	[tilespmem:s0+$0x0] =	vst.add.f32.msk $0xffff, v1;
	p1 =	slt.u32 s12, $0x78  }
0x4a: {  	[tilespmem:s0+$0x1F0] =	vst.add.f32.msk $0xffff, v2  }
0x4b: {  	[tilespmem:s0+$0x1E0] =	vst.add.f32.msk $0xffff, v3  }
0x4c: {  	[tilespmem:s0+$0x1D0] =	vst.add.f32.msk $0xffff, v0  }
0x4d: {  	[tilespmem:s0+$0x1C0] =	vst.add.f32.msk $0xffff, v1  }
0x4e: {  	[tilespmem:s0+$0x1B0] =	vst.add.f32.msk $0xffff, v2  }
0x4f: {  	[tilespmem:s0+$0x1A0] =	vst.add.f32.msk $0xffff, v3  }
0x50: {  	[tilespmem:s0+$0x190] =	vst.add.f32.msk $0xffff, v0  }
0x51: {  	[tilespmem:s0+$0x180] =	vst.add.f32.msk $0xffff, v1  }
0x52: {  	[tilespmem:s0+$0x170] =	vst.add.f32.msk $0xffff, v2  }
0x53: {  	[tilespmem:s0+$0x160] =	vst.add.f32.msk $0xffff, v3  }
0x54: {  	[tilespmem:s0+$0x150] =	vst.add.f32.msk $0xffff, v0  }
0x55: {  	[tilespmem:s0+$0x140] =	vst.add.f32.msk $0xffff, v1  }
0x56: {  	[tilespmem:s0+$0x130] =	vst.add.f32.msk $0xffff, v2  }
0x57: {  	[tilespmem:s0+$0x120] =	vst.add.f32.msk $0xffff, v3  }
0x58: {  	[tilespmem:s0+$0x110] =	vst.add.f32.msk $0xffff, v0  }
0x59: {  	[tilespmem:s0+$0x100] =	vst.add.f32.msk $0xffff, v1  }
0x5a: {  	[tilespmem:s0+$0xF0] =	vst.add.f32.msk $0xffff, v2  }
0x5b: {  	[tilespmem:s0+$0xE0] =	vst.add.f32.msk $0xffff, v3  }
0x5c: {  	[tilespmem:s0+$0xD0] =	vst.add.f32.msk $0xffff, v0  }
0x5d: {  	[tilespmem:s0+$0xC0] =	vst.add.f32.msk $0xffff, v1  }
0x5e: {  	[tilespmem:s0+$0xB0] =	vst.add.f32.msk $0xffff, v2  }
0x5f: {  	[tilespmem:s0+$0xA0] =	vst.add.f32.msk $0xffff, v3  }
0x60: {  	[tilespmem:s0+$0x90] =	vst.add.f32.msk $0xffff, v0  }
0x61: {  	[tilespmem:s0+$0x80] =	vst.add.f32.msk $0xffff, v1  }
0x62: {  	[tilespmem:s0+$0x70] =	vst.add.f32.msk $0xffff, v2  }
.Ltmp0:
0x63: {  	[tilespmem:s0+$0x60] =	vst.add.f32.msk $0xffff, v3;
	(pc) =	sbr.rel @p1 .LBB2_3-.Ltmp0, $4  }
0x64: {  	[tilespmem:s0+$0x50] =	vst.add.f32.msk $0xffff, v0  }
0x65: {  	[tilespmem:s0+$0x40] =	vst.add.f32.msk $0xffff, v1  }
0x66: {  	[tilespmem:s0+$0x30] =	vst.add.f32.msk $0xffff, v2  }
0x67: {  	[tilespmem:s0+$0x20] =	vst.add.f32.msk $0xffff, v3  }
0x68: {  	s4 =	sshll.u32 s28, $0x9  }
0x69: {  	s4 =	sadd.s32 s7, s4  }
0x6a: {  	s4 =	sshrl.u32 s4, $0x3  }
0x6b: {  	[tilespmem:s0+$0x10] =	vst.add.f32.msk $0xffff, v0;
	s4 =	sadd.s32 s5, s4  }
0x6c: {  	[hbm4b:s4+s17] =	stream.strided.scatter [tilespmem:s13], [sflag:$0x5], $0x2000, s9, s17, $0x38;
	[tilespmem:$0x11600] =	vst v63  }
0x6d: {  	s4 =	simm.s32 @!p0 $0x8  }
0x6e: {  	s0 =	sor.u32 $0x3, s2;
	_ =	swait.ge @!p0 [sflag:s4], $0x2000  }
0x6f: {  	s30 =	sshll.u32 s0, $0x7;
	[sflag:s4] =	ssyncset.done @!p0 $0x0  }
0x70: {  	s6 =	sand.u32 $0x3FFFFF80, s30;
	[sflag:s4] =	ssyncadd.s32 @!p0 $0xFFFFE000  }
0x71: {  	[tilespmem:s18], [sflag:$0x4] =	stream.indirect.gather [hbm4b:s3+s11], $0x40, s6, s11, $0xb8;
	[tilespmem:$0x11600] =	vst v63  }
0x72: {  	s2 =	sor.u32 $0x1, s2;
	_ =	swait.ge [sflag:s19], $0x2000  }
0x73: {  	s12 =	sshll.u32 s2, $0x6;
	[sflag:s19] =	ssyncset.done $0x0  }
0x74: {  	s4 =	sand.u32 $0x3FFFFFC0, s12;
	[sflag:s19] =	ssyncadd.s32 $0xFFFFE000  }
0x75: {  	v1 =	vld [tilespmem:s4+$0x6400]  }
0x76: {  	v2 =	vld [tilespmem:s4+$0x6430]  }
0x77: {  	v3 =	vld [tilespmem:s4+$0x6420]  }
0x78: {  	v0 =	vld [tilespmem:s4+$0x6410]  }
0x79: {  	s12 =	simm.s32 $0xB600  }
0x7a: {  	[tilespmem:s12+$0x0] =	vst.add.f32.msk $0xffff, v1  }
0x7b: {  	[tilespmem:s12+$0x1F0] =	vst.add.f32.msk $0xffff, v2  }
0x7c: {  	[tilespmem:s12+$0x1E0] =	vst.add.f32.msk $0xffff, v3  }
0x7d: {  	[tilespmem:s12+$0x1D0] =	vst.add.f32.msk $0xffff, v0  }
0x7e: {  	[tilespmem:s12+$0x1C0] =	vst.add.f32.msk $0xffff, v1  }
0x7f: {  	[tilespmem:s12+$0x1B0] =	vst.add.f32.msk $0xffff, v2  }
0x80: {  	[tilespmem:s12+$0x1A0] =	vst.add.f32.msk $0xffff, v3  }
0x81: {  	[tilespmem:s12+$0x190] =	vst.add.f32.msk $0xffff, v0  }
0x82: {  	[tilespmem:s12+$0x180] =	vst.add.f32.msk $0xffff, v1  }
0x83: {  	[tilespmem:s12+$0x170] =	vst.add.f32.msk $0xffff, v2  }
0x84: {  	[tilespmem:s12+$0x160] =	vst.add.f32.msk $0xffff, v3  }
0x85: {  	[tilespmem:s12+$0x150] =	vst.add.f32.msk $0xffff, v0  }
0x86: {  	[tilespmem:s12+$0x140] =	vst.add.f32.msk $0xffff, v1  }
0x87: {  	[tilespmem:s12+$0x130] =	vst.add.f32.msk $0xffff, v2  }
0x88: {  	[tilespmem:s12+$0x120] =	vst.add.f32.msk $0xffff, v3  }
0x89: {  	[tilespmem:s12+$0x110] =	vst.add.f32.msk $0xffff, v0  }
0x8a: {  	[tilespmem:s12+$0x100] =	vst.add.f32.msk $0xffff, v1  }
0x8b: {  	[tilespmem:s12+$0xF0] =	vst.add.f32.msk $0xffff, v2  }
0x8c: {  	[tilespmem:s12+$0xE0] =	vst.add.f32.msk $0xffff, v3  }
0x8d: {  	[tilespmem:s12+$0xD0] =	vst.add.f32.msk $0xffff, v0  }
0x8e: {  	[tilespmem:s12+$0xC0] =	vst.add.f32.msk $0xffff, v1  }
0x8f: {  	[tilespmem:s12+$0xB0] =	vst.add.f32.msk $0xffff, v2  }
0x90: {  	[tilespmem:s12+$0xA0] =	vst.add.f32.msk $0xffff, v3  }
0x91: {  	[tilespmem:s12+$0x90] =	vst.add.f32.msk $0xffff, v0  }
0x92: {  	[tilespmem:s12+$0x80] =	vst.add.f32.msk $0xffff, v1  }
0x93: {  	[tilespmem:s12+$0x70] =	vst.add.f32.msk $0xffff, v2  }
0x94: {  	[tilespmem:s12+$0x60] =	vst.add.f32.msk $0xffff, v3  }
0x95: {  	[tilespmem:s12+$0x50] =	vst.add.f32.msk $0xffff, v0  }
0x96: {  	[tilespmem:s12+$0x40] =	vst.add.f32.msk $0xffff, v1  }
0x97: {  	[tilespmem:s12+$0x30] =	vst.add.f32.msk $0xffff, v2  }
0x98: {  	s4 =	simm.s32 $0x0;
	[tilespmem:s12+$0x20] =	vst.add.f32.msk $0xffff, v3  }
.LBB2_5:
0x99: {  	s4 =	sadd.s32 $0x8, s4;
	[tilespmem:s12+$0x10] =	vst.add.f32.msk $0xffff, v0;
	s12 =	sadd.s32 $0x200, s12  }
0x9a: {  	[tilespmem:s12+$0x0] =	vst.add.f32.msk $0xffff, v1;
	p0 =	slt.u32 s4, $0x78  }
0x9b: {  	[tilespmem:s12+$0x1F0] =	vst.add.f32.msk $0xffff, v2  }
0x9c: {  	[tilespmem:s12+$0x1E0] =	vst.add.f32.msk $0xffff, v3  }
0x9d: {  	[tilespmem:s12+$0x1D0] =	vst.add.f32.msk $0xffff, v0  }
0x9e: {  	[tilespmem:s12+$0x1C0] =	vst.add.f32.msk $0xffff, v1  }
0x9f: {  	[tilespmem:s12+$0x1B0] =	vst.add.f32.msk $0xffff, v2  }
0xa0: {  	[tilespmem:s12+$0x1A0] =	vst.add.f32.msk $0xffff, v3  }
0xa1: {  	[tilespmem:s12+$0x190] =	vst.add.f32.msk $0xffff, v0  }
0xa2: {  	[tilespmem:s12+$0x180] =	vst.add.f32.msk $0xffff, v1  }
0xa3: {  	[tilespmem:s12+$0x170] =	vst.add.f32.msk $0xffff, v2  }
0xa4: {  	[tilespmem:s12+$0x160] =	vst.add.f32.msk $0xffff, v3  }
0xa5: {  	[tilespmem:s12+$0x150] =	vst.add.f32.msk $0xffff, v0  }
0xa6: {  	[tilespmem:s12+$0x140] =	vst.add.f32.msk $0xffff, v1  }
0xa7: {  	[tilespmem:s12+$0x130] =	vst.add.f32.msk $0xffff, v2  }
0xa8: {  	[tilespmem:s12+$0x120] =	vst.add.f32.msk $0xffff, v3  }
0xa9: {  	[tilespmem:s12+$0x110] =	vst.add.f32.msk $0xffff, v0  }
0xaa: {  	[tilespmem:s12+$0x100] =	vst.add.f32.msk $0xffff, v1  }
0xab: {  	[tilespmem:s12+$0xF0] =	vst.add.f32.msk $0xffff, v2  }
0xac: {  	[tilespmem:s12+$0xE0] =	vst.add.f32.msk $0xffff, v3  }
0xad: {  	[tilespmem:s12+$0xD0] =	vst.add.f32.msk $0xffff, v0  }
0xae: {  	[tilespmem:s12+$0xC0] =	vst.add.f32.msk $0xffff, v1  }
0xaf: {  	[tilespmem:s12+$0xB0] =	vst.add.f32.msk $0xffff, v2  }
0xb0: {  	[tilespmem:s12+$0xA0] =	vst.add.f32.msk $0xffff, v3  }
0xb1: {  	[tilespmem:s12+$0x90] =	vst.add.f32.msk $0xffff, v0  }
0xb2: {  	[tilespmem:s12+$0x80] =	vst.add.f32.msk $0xffff, v1  }
0xb3: {  	[tilespmem:s12+$0x70] =	vst.add.f32.msk $0xffff, v2  }
.Ltmp1:
0xb4: {  	[tilespmem:s12+$0x60] =	vst.add.f32.msk $0xffff, v3;
	(pc) =	sbr.rel @p0 .LBB2_5-.Ltmp1, $4  }
0xb5: {  	[tilespmem:s12+$0x50] =	vst.add.f32.msk $0xffff, v0  }
0xb6: {  	[tilespmem:s12+$0x40] =	vst.add.f32.msk $0xffff, v1  }
0xb7: {  	[tilespmem:s12+$0x30] =	vst.add.f32.msk $0xffff, v2  }
0xb8: {  	[tilespmem:s12+$0x20] =	vst.add.f32.msk $0xffff, v3  }
0xb9: {  	s2 =	sshll.u32 s2, $0x7  }
0xba: {  	s2 =	sadd.s32 s7, s2  }
0xbb: {  	s2 =	sshrl.u32 s2, $0x3  }
0xbc: {  	[tilespmem:s12+$0x10] =	vst.add.f32.msk $0xffff, v0;
	p0 =	seq.s32 s28, $0x31;
	s2 =	sadd.s32 s5, s2  }
0xbd: {  	[hbm4b:s2+s17] =	stream.strided.scatter [tilespmem:s14], [sflag:$0x6], $0x2000, s9, s17, $0x38;
	[tilespmem:$0x11600] =	vst v63  }
0xbe: {  	s2 =	simm.s32 @!p0 $0x5  }
0xbf: {  	_ =	swait.ge @!p0 [sflag:s2], $0x2000  }
0xc0: {  	s4 =	sshll.u32 @!p0 s28, $0x9;
	[sflag:s2] =	ssyncset.done @!p0 $0x0  }
0xc1: {  	[sflag:s2] =	ssyncadd.s32 @!p0 $0xFFFFE000;
	s2 =	sand.u32 @!p0 $0x3FFFFE00, s4  }
0xc2: {  	s12 =	simm.s32 @!p0 $0x80;
	s6 =	simm.s32 @!p0 $0x9600;
	s4 =	sadd.s32 @!p0 $0x200, s2  }
0xc3: {  	[tilespmem:s6], [sflag:$0x1] =	stream.indirect.gather @!p0 [hbm4b:s3+s12], $0x40, s4, s12, $0xb8;
	[tilespmem:$0x11600] =	vst v63  }
0xc4: {  	_ =	swait.ge [sflag:s20], $0x2000  }
0xc5: {  	s31 =	sshll.u32 s31, $0x6;
	[sflag:s20] =	ssyncset.done $0x0  }
0xc6: {  	s4 =	sand.u32 $0x3FFFFFC0, s31;
	[sflag:s20] =	ssyncadd.s32 $0xFFFFE000  }
0xc7: {  	v1 =	vld [tilespmem:s4+$0x6400]  }
0xc8: {  	v2 =	vld [tilespmem:s4+$0x6430]  }
0xc9: {  	v3 =	vld [tilespmem:s4+$0x6420]  }
0xca: {  	v0 =	vld [tilespmem:s4+$0x6410]  }
0xcb: {  	s12 =	simm.s32 $0xD600  }
0xcc: {  	[tilespmem:s12+$0x0] =	vst.add.f32.msk $0xffff, v1  }
0xcd: {  	[tilespmem:s12+$0x1F0] =	vst.add.f32.msk $0xffff, v2  }
0xce: {  	[tilespmem:s12+$0x1E0] =	vst.add.f32.msk $0xffff, v3  }
0xcf: {  	[tilespmem:s12+$0x1D0] =	vst.add.f32.msk $0xffff, v0  }
0xd0: {  	[tilespmem:s12+$0x1C0] =	vst.add.f32.msk $0xffff, v1  }
0xd1: {  	[tilespmem:s12+$0x1B0] =	vst.add.f32.msk $0xffff, v2  }
0xd2: {  	[tilespmem:s12+$0x1A0] =	vst.add.f32.msk $0xffff, v3  }
0xd3: {  	[tilespmem:s12+$0x190] =	vst.add.f32.msk $0xffff, v0  }
0xd4: {  	[tilespmem:s12+$0x180] =	vst.add.f32.msk $0xffff, v1  }
0xd5: {  	[tilespmem:s12+$0x170] =	vst.add.f32.msk $0xffff, v2  }
0xd6: {  	[tilespmem:s12+$0x160] =	vst.add.f32.msk $0xffff, v3  }
0xd7: {  	[tilespmem:s12+$0x150] =	vst.add.f32.msk $0xffff, v0  }
0xd8: {  	[tilespmem:s12+$0x140] =	vst.add.f32.msk $0xffff, v1  }
0xd9: {  	[tilespmem:s12+$0x130] =	vst.add.f32.msk $0xffff, v2  }
0xda: {  	[tilespmem:s12+$0x120] =	vst.add.f32.msk $0xffff, v3  }
0xdb: {  	[tilespmem:s12+$0x110] =	vst.add.f32.msk $0xffff, v0  }
0xdc: {  	[tilespmem:s12+$0x100] =	vst.add.f32.msk $0xffff, v1  }
0xdd: {  	[tilespmem:s12+$0xF0] =	vst.add.f32.msk $0xffff, v2  }
0xde: {  	[tilespmem:s12+$0xE0] =	vst.add.f32.msk $0xffff, v3  }
0xdf: {  	[tilespmem:s12+$0xD0] =	vst.add.f32.msk $0xffff, v0  }
0xe0: {  	[tilespmem:s12+$0xC0] =	vst.add.f32.msk $0xffff, v1  }
0xe1: {  	[tilespmem:s12+$0xB0] =	vst.add.f32.msk $0xffff, v2  }
0xe2: {  	[tilespmem:s12+$0xA0] =	vst.add.f32.msk $0xffff, v3  }
0xe3: {  	[tilespmem:s12+$0x90] =	vst.add.f32.msk $0xffff, v0  }
0xe4: {  	[tilespmem:s12+$0x80] =	vst.add.f32.msk $0xffff, v1  }
0xe5: {  	[tilespmem:s12+$0x70] =	vst.add.f32.msk $0xffff, v2  }
0xe6: {  	[tilespmem:s12+$0x60] =	vst.add.f32.msk $0xffff, v3  }
0xe7: {  	[tilespmem:s12+$0x50] =	vst.add.f32.msk $0xffff, v0  }
0xe8: {  	[tilespmem:s12+$0x40] =	vst.add.f32.msk $0xffff, v1  }
0xe9: {  	[tilespmem:s12+$0x30] =	vst.add.f32.msk $0xffff, v2  }
0xea: {  	s4 =	simm.s32 $0x0;
	[tilespmem:s12+$0x20] =	vst.add.f32.msk $0xffff, v3  }
.LBB2_7:
0xeb: {  	s4 =	sadd.s32 $0x8, s4;
	[tilespmem:s12+$0x10] =	vst.add.f32.msk $0xffff, v0;
	s12 =	sadd.s32 $0x200, s12  }
0xec: {  	[tilespmem:s12+$0x0] =	vst.add.f32.msk $0xffff, v1;
	p1 =	slt.u32 s4, $0x78  }
0xed: {  	[tilespmem:s12+$0x1F0] =	vst.add.f32.msk $0xffff, v2  }
0xee: {  	[tilespmem:s12+$0x1E0] =	vst.add.f32.msk $0xffff, v3  }
0xef: {  	[tilespmem:s12+$0x1D0] =	vst.add.f32.msk $0xffff, v0  }
0xf0: {  	[tilespmem:s12+$0x1C0] =	vst.add.f32.msk $0xffff, v1  }
0xf1: {  	[tilespmem:s12+$0x1B0] =	vst.add.f32.msk $0xffff, v2  }
0xf2: {  	[tilespmem:s12+$0x1A0] =	vst.add.f32.msk $0xffff, v3  }
0xf3: {  	[tilespmem:s12+$0x190] =	vst.add.f32.msk $0xffff, v0  }
0xf4: {  	[tilespmem:s12+$0x180] =	vst.add.f32.msk $0xffff, v1  }
0xf5: {  	[tilespmem:s12+$0x170] =	vst.add.f32.msk $0xffff, v2  }
0xf6: {  	[tilespmem:s12+$0x160] =	vst.add.f32.msk $0xffff, v3  }
0xf7: {  	[tilespmem:s12+$0x150] =	vst.add.f32.msk $0xffff, v0  }
0xf8: {  	[tilespmem:s12+$0x140] =	vst.add.f32.msk $0xffff, v1  }
0xf9: {  	[tilespmem:s12+$0x130] =	vst.add.f32.msk $0xffff, v2  }
0xfa: {  	[tilespmem:s12+$0x120] =	vst.add.f32.msk $0xffff, v3  }
0xfb: {  	[tilespmem:s12+$0x110] =	vst.add.f32.msk $0xffff, v0  }
0xfc: {  	[tilespmem:s12+$0x100] =	vst.add.f32.msk $0xffff, v1  }
0xfd: {  	[tilespmem:s12+$0xF0] =	vst.add.f32.msk $0xffff, v2  }
0xfe: {  	[tilespmem:s12+$0xE0] =	vst.add.f32.msk $0xffff, v3  }
0xff: {  	[tilespmem:s12+$0xD0] =	vst.add.f32.msk $0xffff, v0  }
0x100: {  	[tilespmem:s12+$0xC0] =	vst.add.f32.msk $0xffff, v1  }
0x101: {  	[tilespmem:s12+$0xB0] =	vst.add.f32.msk $0xffff, v2  }
0x102: {  	[tilespmem:s12+$0xA0] =	vst.add.f32.msk $0xffff, v3  }
0x103: {  	[tilespmem:s12+$0x90] =	vst.add.f32.msk $0xffff, v0  }
0x104: {  	[tilespmem:s12+$0x80] =	vst.add.f32.msk $0xffff, v1  }
0x105: {  	[tilespmem:s12+$0x70] =	vst.add.f32.msk $0xffff, v2  }
.Ltmp2:
0x106: {  	[tilespmem:s12+$0x60] =	vst.add.f32.msk $0xffff, v3;
	(pc) =	sbr.rel @p1 .LBB2_7-.Ltmp2, $4  }
0x107: {  	[tilespmem:s12+$0x50] =	vst.add.f32.msk $0xffff, v0  }
0x108: {  	[tilespmem:s12+$0x40] =	vst.add.f32.msk $0xffff, v1  }
0x109: {  	[tilespmem:s12+$0x30] =	vst.add.f32.msk $0xffff, v2  }
0x10a: {  	[tilespmem:s12+$0x20] =	vst.add.f32.msk $0xffff, v3  }
0x10b: {  	s4 =	sadd.s32 s7, s29  }
0x10c: {  	s4 =	sshrl.u32 s4, $0x3  }
0x10d: {  	[tilespmem:s12+$0x10] =	vst.add.f32.msk $0xffff, v0;
	s4 =	sadd.s32 s5, s4  }
0x10e: {  	[hbm4b:s4+s17] =	stream.strided.scatter [tilespmem:s15], [sflag:$0x7], $0x2000, s9, s17, $0x38;
	[tilespmem:$0x11600] =	vst v63  }
0x10f: {  	s4 =	simm.s32 @!p0 $0x6  }
0x110: {  	_ =	swait.ge @!p0 [sflag:s4], $0x2000  }
0x111: {  	s2 =	sadd.s32 @!p0 $0x280, s2;
	[sflag:s4] =	ssyncset.done @!p0 $0x0  }
0x112: {  	s6 =	simm.s32 @!p0 $0xB600;
	[sflag:s4] =	ssyncadd.s32 @!p0 $0xFFFFE000;
	s4 =	simm.s32 @!p0 $0x80  }
0x113: {  	[tilespmem:s6], [sflag:$0x2] =	stream.indirect.gather @!p0 [hbm4b:s3+s4], $0x40, s2, s4, $0xb8;
	[tilespmem:$0x11600] =	vst v63  }
0x114: {  	_ =	swait.ge [sflag:s21], $0x2000  }
0x115: {  	s0 =	sshll.u32 s0, $0x6;
	[sflag:s21] =	ssyncset.done $0x0  }
0x116: {  	s0 =	sand.u32 $0x3FFFFFC0, s0;
	[sflag:s21] =	ssyncadd.s32 $0xFFFFE000  }
0x117: {  	v1 =	vld [tilespmem:s0+$0x6400]  }
0x118: {  	v2 =	vld [tilespmem:s0+$0x6430]  }
0x119: {  	v3 =	vld [tilespmem:s0+$0x6420]  }
0x11a: {  	v0 =	vld [tilespmem:s0+$0x6410]  }
0x11b: {  	s0 =	simm.s32 $0xF600  }
0x11c: {  	[tilespmem:s0+$0x0] =	vst.add.f32.msk $0xffff, v1  }
0x11d: {  	[tilespmem:s0+$0x1F0] =	vst.add.f32.msk $0xffff, v2  }
0x11e: {  	[tilespmem:s0+$0x1E0] =	vst.add.f32.msk $0xffff, v3  }
0x11f: {  	[tilespmem:s0+$0x1D0] =	vst.add.f32.msk $0xffff, v0  }
0x120: {  	[tilespmem:s0+$0x1C0] =	vst.add.f32.msk $0xffff, v1  }
0x121: {  	[tilespmem:s0+$0x1B0] =	vst.add.f32.msk $0xffff, v2  }
0x122: {  	[tilespmem:s0+$0x1A0] =	vst.add.f32.msk $0xffff, v3  }
0x123: {  	[tilespmem:s0+$0x190] =	vst.add.f32.msk $0xffff, v0  }
0x124: {  	[tilespmem:s0+$0x180] =	vst.add.f32.msk $0xffff, v1  }
0x125: {  	[tilespmem:s0+$0x170] =	vst.add.f32.msk $0xffff, v2  }
0x126: {  	[tilespmem:s0+$0x160] =	vst.add.f32.msk $0xffff, v3  }
0x127: {  	[tilespmem:s0+$0x150] =	vst.add.f32.msk $0xffff, v0  }
0x128: {  	[tilespmem:s0+$0x140] =	vst.add.f32.msk $0xffff, v1  }
0x129: {  	[tilespmem:s0+$0x130] =	vst.add.f32.msk $0xffff, v2  }
0x12a: {  	[tilespmem:s0+$0x120] =	vst.add.f32.msk $0xffff, v3  }
0x12b: {  	[tilespmem:s0+$0x110] =	vst.add.f32.msk $0xffff, v0  }
0x12c: {  	[tilespmem:s0+$0x100] =	vst.add.f32.msk $0xffff, v1  }
0x12d: {  	[tilespmem:s0+$0xF0] =	vst.add.f32.msk $0xffff, v2  }
0x12e: {  	[tilespmem:s0+$0xE0] =	vst.add.f32.msk $0xffff, v3  }
0x12f: {  	[tilespmem:s0+$0xD0] =	vst.add.f32.msk $0xffff, v0  }
0x130: {  	[tilespmem:s0+$0xC0] =	vst.add.f32.msk $0xffff, v1  }
0x131: {  	[tilespmem:s0+$0xB0] =	vst.add.f32.msk $0xffff, v2  }
0x132: {  	[tilespmem:s0+$0xA0] =	vst.add.f32.msk $0xffff, v3  }
0x133: {  	[tilespmem:s0+$0x90] =	vst.add.f32.msk $0xffff, v0  }
0x134: {  	[tilespmem:s0+$0x80] =	vst.add.f32.msk $0xffff, v1  }
0x135: {  	[tilespmem:s0+$0x70] =	vst.add.f32.msk $0xffff, v2  }
0x136: {  	[tilespmem:s0+$0x60] =	vst.add.f32.msk $0xffff, v3  }
0x137: {  	[tilespmem:s0+$0x50] =	vst.add.f32.msk $0xffff, v0  }
0x138: {  	[tilespmem:s0+$0x40] =	vst.add.f32.msk $0xffff, v1  }
0x139: {  	[tilespmem:s0+$0x30] =	vst.add.f32.msk $0xffff, v2  }
0x13a: {  	s2 =	simm.s32 $0x0;
	[tilespmem:s0+$0x20] =	vst.add.f32.msk $0xffff, v3  }
.LBB2_9:
0x13b: {  	s2 =	sadd.s32 $0x8, s2;
	[tilespmem:s0+$0x10] =	vst.add.f32.msk $0xffff, v0;
	s0 =	sadd.s32 $0x200, s0  }
0x13c: {  	[tilespmem:s0+$0x0] =	vst.add.f32.msk $0xffff, v1;
	p0 =	slt.u32 s2, $0x78  }
0x13d: {  	[tilespmem:s0+$0x1F0] =	vst.add.f32.msk $0xffff, v2  }
0x13e: {  	[tilespmem:s0+$0x1E0] =	vst.add.f32.msk $0xffff, v3  }
0x13f: {  	[tilespmem:s0+$0x1D0] =	vst.add.f32.msk $0xffff, v0  }
0x140: {  	[tilespmem:s0+$0x1C0] =	vst.add.f32.msk $0xffff, v1  }
0x141: {  	[tilespmem:s0+$0x1B0] =	vst.add.f32.msk $0xffff, v2  }
0x142: {  	[tilespmem:s0+$0x1A0] =	vst.add.f32.msk $0xffff, v3  }
0x143: {  	[tilespmem:s0+$0x190] =	vst.add.f32.msk $0xffff, v0  }
0x144: {  	[tilespmem:s0+$0x180] =	vst.add.f32.msk $0xffff, v1  }
0x145: {  	[tilespmem:s0+$0x170] =	vst.add.f32.msk $0xffff, v2  }
0x146: {  	[tilespmem:s0+$0x160] =	vst.add.f32.msk $0xffff, v3  }
0x147: {  	[tilespmem:s0+$0x150] =	vst.add.f32.msk $0xffff, v0  }
0x148: {  	[tilespmem:s0+$0x140] =	vst.add.f32.msk $0xffff, v1  }
0x149: {  	[tilespmem:s0+$0x130] =	vst.add.f32.msk $0xffff, v2  }
0x14a: {  	[tilespmem:s0+$0x120] =	vst.add.f32.msk $0xffff, v3  }
0x14b: {  	[tilespmem:s0+$0x110] =	vst.add.f32.msk $0xffff, v0  }
0x14c: {  	[tilespmem:s0+$0x100] =	vst.add.f32.msk $0xffff, v1  }
0x14d: {  	[tilespmem:s0+$0xF0] =	vst.add.f32.msk $0xffff, v2  }
0x14e: {  	[tilespmem:s0+$0xE0] =	vst.add.f32.msk $0xffff, v3  }
0x14f: {  	[tilespmem:s0+$0xD0] =	vst.add.f32.msk $0xffff, v0  }
0x150: {  	[tilespmem:s0+$0xC0] =	vst.add.f32.msk $0xffff, v1  }
0x151: {  	[tilespmem:s0+$0xB0] =	vst.add.f32.msk $0xffff, v2  }
0x152: {  	[tilespmem:s0+$0xA0] =	vst.add.f32.msk $0xffff, v3  }
0x153: {  	[tilespmem:s0+$0x90] =	vst.add.f32.msk $0xffff, v0  }
0x154: {  	[tilespmem:s0+$0x80] =	vst.add.f32.msk $0xffff, v1  }
0x155: {  	[tilespmem:s0+$0x70] =	vst.add.f32.msk $0xffff, v2  }
.Ltmp3:
0x156: {  	[tilespmem:s0+$0x60] =	vst.add.f32.msk $0xffff, v3;
	(pc) =	sbr.rel @p0 .LBB2_9-.Ltmp3, $4  }
0x157: {  	[tilespmem:s0+$0x50] =	vst.add.f32.msk $0xffff, v0  }
0x158: {  	[tilespmem:s0+$0x40] =	vst.add.f32.msk $0xffff, v1  }
0x159: {  	[tilespmem:s0+$0x30] =	vst.add.f32.msk $0xffff, v2  }
0x15a: {  	[tilespmem:s0+$0x20] =	vst.add.f32.msk $0xffff, v3  }
0x15b: {  	s28 =	sadd.s32 $0x1, s28  }
0x15c: {  	p0 =	sne.s32 s28, $0x32  }
.Ltmp4:
0x15d: {  	_ = 	snop;
	(pc) =	sbr.rel @p0 .LBB2_2-.Ltmp4, $4  }
0x15e: {  	s2 =	sadd.s32 s7, s30  }
0x15f: {  	s2 =	sshrl.u32 s2, $0x3  }
0x160: {  	[tilespmem:s0+$0x10] =	vst.add.f32.msk $0xffff, v0;
	s31 =	sadd.s32 s5, s2  }
0x161: {  	[hbm4b:s31+s17] =	stream.strided.scatter [tilespmem:s18], [sflag:$0x8], $0x2000, s9, s17, $0x38;
	[tilespmem:$0x11600] =	vst v63  }
0x162: {  	_ =	swait.ge [sflag:s22], $0x2000  }
0x163: {  	[sflag:s22] =	ssyncset.done $0x0  }
0x164: {  	[sflag:s22] =	ssyncadd.s32 $0xFFFFE000  }
0x165: {  	_ =	swait.ge [sflag:s23], $0x2000  }
0x166: {  	[sflag:s23] =	ssyncset.done $0x0  }
0x167: {  	s26 =	sadd.s32 $0x1, s26;
	[sflag:s23] =	ssyncadd.s32 $0xFFFFE000  }
0x168: {  	p0 =	sne.s32 s26, s8;
	_ =	swait.ge [sflag:s24], $0x2000  }
.Ltmp5:
0x169: {  	[sflag:s24] =	ssyncset.done $0x0;
	(pc) =	sbr.rel @p0 .LBB2_1-.Ltmp5, $4  }
0x16a: {  	[sflag:s24] =	ssyncadd.s32 $0xFFFFE000  }
0x16b: {  	_ =	swait.ge [sflag:s25], $0x2000  }
0x16c: {  	[sflag:s25] =	ssyncset.done $0x0  }
0x16d: {  	[sflag:s25] =	ssyncadd.s32 $0xFFFFE000  }
0x16e: {  	_ =	sfence.sel $0x180000  }
0x16f: {  	[bflag:$0x0] =	sbarrier.arrive $0xFFFF  }
0x170: {  	_ =	strace $0x90000047  }
0x171: {  	s0 =	stileid.u32;
	[bflag:$0x2] =	sbarrier.arrive $0xFFFF  }
0x172: {  	p0 =	sne.s32 s0, $0x0;
	s0 =	rddreg [dreg:$0x2]  }
0x173: {  	s0 =	sadd.s32 @!p0 $0x100000, s0  }
0x174: {  	[sflag:s0] =	ssyncadd.tile.s32 @!p0 $0x1;
	_ =	shalt  }
.Lfunc_end2:
_tile_overlayer_lowered:
.L_overlay_start_2:
0x175: {  	(tag) =	ssettag $0x2  }
0x176: {  	s0 =	rddreg [dreg:$0x0];
	s2 =	stileid.u32  }
0x177: {  	s1 =	rddreg [dreg:$0x1];
	p0 =	sne.s32 s2, $0x0  }
0x178: {  	s3 =	rddreg [dreg:$0x2];
	[bflag:$0x3] =	sbarrier.arrive $0xFFFF;
	s2 =	simm.s32 @!p0 $0x1C09  }
0x179: {  	[timem:s3], [sflag:s2] =	dma.local @!p0 [hbm:s0], s1  }
0x17a: {  	s0 =	simm.s32 @!p0 $0x9  }
0x17b: {  	_ =	swait.ge @!p0 [sflag:s0], s1  }
0x17c: {  	s1 =	ssub.s32 @!p0 $0x0, s1;
	[sflag:s0] =	ssyncset.done @!p0 $0x0  }
0x17d: {  	[sflag:s0] =	ssyncadd.s32 @!p0 s1  }
0x17e: {  	[bflag:$0x3] =	sbarrier.arrive $0xFFFF  }
0x17f: {  	_ =	shalt  }

// kernel: sparse-core-data-format-call.cloned.1.call-start
scs
called_computation_lowered:
.L_overlay_start_0:
0x0: {  	s2 =	sld [smem:$0x3FD9]  }
0x1: {  	s3 =	sld [smem:$0x3FFE];
	_ =	sdelay $0x1  }
0x2: {  	s1 =	srdreg.scid  }
0x3: {  	s0 =	sand.u32 $0x1, s1  }
0x4: {  	s18 =	sshll.u32 s0, $0xA;
	s2 =	sadd.s32 s3, s2  }
0x5: {  	s2 =	sadd.s32 s2, s18  }
0x6: {  	[smem:$0x3FC5] =	sst s2  }
0x7: {  	_ = 	snop  }
0x8: {  	s2 =	sld [smem:$0x3FD0];
	(tm) =	ssettm $0x1  }
0x9: {  	s19 =	sld [smem:$0x3FFB];
	_ =	sdelay $0x3  }
0xa: {  	_ =	strace s19  }
0xb: {  	s3 =	sld [smem:$0x3FFC];
	_ =	sdelay $0x3  }
0xc: {  	_ =	strace s3  }
0xd: {  	s3 =	sld [smem:$0x3FFD];
	_ =	sdelay $0x3  }
0xe: {  	_ =	strace s3  }
0xf: {  	_ =	strace $0x8FFFFFFF  }
0x10: {  	s20 =	sld [smem:$0x3FDB];
	_ =	sdelay $0x1  }
0x11: {  	s4 =	simm.s32 $_scs_section_size  }
0x12: {  	s5 =	simm.s32 $_size__tile_overlayer_lowered;
	s6 =	simm.s32 $_tile_overlayer_lowered  }
0x13: {  	s23 =	simm.s32 $0x1BFF;
	s22 =	sshll.u32 s6, $0x1;
	s3 =	sadd.s32 s4, s20  }
0x14: {  	s7 =	simm.s32 $0x0;
	s21 =	sshll.u32 s5, $0x1;
	s5 =	sadd.s32 s22, s3  }
0x15: {  	[timem:s7], [sflag:s23] =	dma.local [hbm:s5], s21  }
0x16: {  	_ =	swait.ge [sflag:s23], s21  }
0x17: {  	s4 =	ssub.s32 $0x0, s21;
	[sflag:s23] =	ssyncset.done $0x0  }
0x18: {  	[sflag:s23] =	ssyncadd.s32 s4;
	_ =	sdelay $0x1  }
0x19: {  	s24 =	simm.s32 $0x1B8B  }
0x1a: {  	_ =	swait.ge [sflag:s24], $0x1  }
0x1b: {  	[sflag:s24] =	ssyncset.done $0x0  }
0x1c: {  	s26 =	simm.s32 $0x1B8E;
	s25 =	sld [smem:$0x3FFE];
	[sflag:s24] =	ssyncadd.s32 $0xFFFFFFFF  }
0x1d: {  	s27 =	simm.s32 $execute0_lowered;
	[smem:$0x3FD2] =	sst s26  }
0x1e: {  	s5 =	sshll.u32 s27, $0x1;
	_ =	strace $0x80000049;
	[dreg:$0x1] =	wrdreg $0xFFFFFFFF  }
0x1f: {  	s28 =	simm.s32 $_size_execute0_lowered;
	s3 =	sadd.s32 s3, s5;
	[dreg:$0x0] =	wrdreg $0x0  }
0x20: {  	s5 =	sshll.u32 s28, $0x1;
	[dreg:$0x2] =	wrdreg s3  }
0x21: {  	[dreg:$0x3] =	wrdreg s5  }
0x22: {  	[dreg:$0x4] =	wrdreg $0xC0  }
0x23: {  	_ =	task [dreg:s7], $0x5FFFF  }
0x24: {  	[dreg:$0x1] =	wrdreg $0xFFFFFFFF  }
0x25: {  	[dreg:$0x0] =	wrdreg $0x60  }
0x26: {  	[dreg:$0x2] =	wrdreg s25  }
0x27: {  	[dreg:$0x3] =	wrdreg s2  }
0x28: {  	[dreg:$0x4] =	wrdreg $0x9  }
0x29: {  	_ =	task.clear_ibuf [dreg:s7], $0x5FFFF;
	_ =	strace $0x90000049  }
0x2a: {  	s29 =	simm.s32 $0x9;
	_ =	strace $0x8000004B  }
0x2b: {  	_ =	swait.ge [sflag:s29], $0x1  }
0x2c: {  	[sflag:s29] =	ssyncadd.s32 $0xFFFFFFFF  }
0x2d: {  	_ =	strace $0x9000004B  }
0x2e: {  	_ =	sfence  }
0x2f: {  	s30 =	sld [smem:$0x0];
	_ =	sdelay $0x2  }
0x30: {  	s31 =	sshll.u32 s1, $0xD;
	s1 =	sshrl.u32 s1, $0x2  }
0x31: {  	s3 =	sand.u32 $0x4000, s31;
	s1 =	sadd.s32 s1, s30  }
0x32: {  	s0 =	sor.u32 s3, s0;
	s1 =	sshll.u32 s1, $0x11  }
0x33: {  	s0 =	sor.u32 s1, s0  }
0x34: {  	s0 =	sadd.s32 $0x8F2B, s0  }
0x35: {  	[sflag:s0] =	ssyncadd.remote.s32 $0x1  }
0x36: {  	_ =	sfence.sel $0xFFFF  }
0x37: {  	[dreg:$0x0] =	wrdreg $0xFFFFFFFF;
	(pc) =	sbr.abs _section_cstart, $3  }
0x38: {  	[dreg:$0x1] =	wrdreg $0xFFFFFFFF  }
0x39: {  	_ =	task.clear_ibuf [dreg:s7], $0x2FFFF;
	_ =	strace $0x9FFFFFFF  }
0x3a: {  	(tm) =	ssettm $0x7FFFFFFF  }
0x3b: {  	_ =	shalt  }
tec
execute0_lowered:
.L_overlay_start_1:
0x0: {  	(tag) =	ssettag $0x1  }
0x1: {  	s0 =	srdreg.scid  }
0x2: {  	s1 =	sshll.u32 s0, $0x4  }
0x3: {  	s0 =	stileid.u32;
	s1 =	sand.u32 $0x10, s1  }
0x4: {  	s1 =	sor.u32 s0, s1  }
0x5: {  	s6 =	rddreg [dreg:$0x0];
	s4 =	simm.s32 $0x1;
	s2 =	sshll.u32 s1, $0x7  }
0x6: {  	s7 =	simm.s32 $0x2;
	s12 =	simm.s32 $0x0;
	s1 =	ssub.s32 $0x1000, s2  }
0x7: {  	s8 =	simm.s32 $0x8000;
	s13 =	simm.s32 $0x0;
	s3 =	sand.u32 $0xF80, s1  }
0x8: {  	s9 =	simm.s32 $0x0;
	s5 =	sshrl.u32 s1, $0xC;
	p0 =	sne.s32 s3, $0x0  }
.Ltmp0:
0x9: {  	s1 =	rddreg [dreg:$0x2];
	s4 =	simm.s32 @!p0 $0x0;
	(pc) =	sbr.rel .LBB1_1-.Ltmp0, $4  }
0xa: {  	s11 =	simm.s32 $0x0;
	s3 =	rddreg [dreg:$0x1];
	s5 =	sadd.s32 s4, s5  }
0xb: {  	_ =	strace $0x8000004A;
	s4 =	simm.s32 $0x1;
	s5 =	smul.u32 $0xC8, s5  }
0xc: {  	s6 =	sadd.s32 $0x1400, s6;
	s10 =	smov.u32 s2;
	[sflag:s4] =	ssyncpa.u1 $0x0  }
0xd: {  	p0 =	por $0x0, $0x0;
	[sflag:s7] =	ssyncpa.u1 $0x0;
	s7 =	sor.u32 $0x1, s5  }
.LBB1_4:
0xe: {  	s16 =	sshll.u32 s13, $0x3;
	s17 =	sand.u32 $0x78, s13  }
0xf: {  	s30 =	sand.u32 $0x7E00, s13;
	s12 =	sshll.u32 s12, $0xF;
	s16 =	sand.u32 $0xC00, s16  }
0x10: {  	[tilespmem:s15+$0x810 ss:$0x81] =	vst.msk $0xffff, v2;
	s31 =	sand.u32 $0x7, s13;
	s16 =	sor.u32 s17, s16;
	s17 =	sadd.s32 s3, s30  }
0x11: {  	[tilespmem:s15+$0x1020 ss:$0x81] =	vst.msk $0xffff, v0;
	s13 =	sshll.u32 s31, $0x12;
	s12 =	sadd.s32 s12, s17;
	s16 =	sshrl.u32 s16, $0x3  }
0x12: {  	[tilespmem:s15+$0x0 ss:$0x81] =	vst.msk $0xffff, v1;
	s13 =	sor.u32 $0x400, s13;
	s12 =	sadd.s32 s16, s12  }
0x13: {  	[hbm4b:s12+s13] =	stream.strided.scatter [tilespmem:s14], [sflag:$0x2], $0x2000, s8, s13, $0x20;
	[tilespmem:$0x8080] =	vst v63  }
.LBB1_5:
0x14: {  	s14 =	sadd.s32 $0x1, s9  }
0x15: {  	s12 =	sadd.s32 $0x1000, s10;
	s16 =	smov.u32 s10;
	p2 =	sgt.s32 s14, $0xC7  }
0x16: {  	s16 =	smov.u32 @p2 s12  }
0x17: {  	s14 =	simm.s32 @p2 $0x0;
	p2 =	sgt.s32 s16, $0xFFF  }
0x18: {  	s16 =	smov.u32 @p2 s2;
	p2 =	sne.s32 s11, s7  }
.Ltmp1:
0x19: {  	p1 =	slt.u32 s11, $0x2;
	(pc) =	sbr.rel @!p2 .LBB1_6-.Ltmp1, $4  }
0x1a: {  	s15 =	simm.s32 @!p1 $0x2  }
0x1b: {  	s13 =	smov.u32 s10;
	p0 =	por !p0, !p0;
	_ =	swait.ge @!p1 [sflag:s15], $0x2000  }
0x1c: {  	s12 =	smov.u32 s9;
	[sflag:s15] =	ssyncset.done @!p1 $0x0;
	s9 =	smov.u32 s14  }
0x1d: {  	s11 =	sadd.s32 $0x1, s11;
	[sflag:s15] =	ssyncadd.s32 @!p1 $0xFFFFE000;
	s10 =	smov.u32 s16  }
.LBB1_1:
0x1e: {  	p1 =	sge.u32 s11, s5  }
0x1f: {  	s14 =	sand.u32 @!p1 $0x1FFFFFF, s9  }
0x20: {  	s15 =	smulhi.u32 @!p1 $0x147AE15, s14;
	_ =	sdelay $0x1  }
0x21: {  	s15 =	smul.u32 @!p1 $0xC8, s15  }
0x22: {  	s16 =	sxor.u32 @!p1 $0xFFFFFFFF, s11;
	s17 =	smul.u32 @!p1 $0xC80, s10  }
0x23: {  	s31 =	sadd.s32 $0xFFFFFFFF, s11;
	s16 =	sshll.u32 @!p1 s16, $0xD;
	s14 =	ssub.s32 @!p1 s14, s15  }
0x24: {  	s15 =	sand.u32 @!p1 $0x2000, s16;
	s16 =	sadd.s32 @!p1 s6, s17;
	s14 =	sshll.u32 @!p1 s14, $0x4  }
0x25: {  	s17 =	simm.s32 @!p1 $0x6400;
	s14 =	sadd.s32 @!p1 s14, s16;
	s16 =	simm.s32 @!p1 $0x40  }
0x26: {  	[tilespmem:s15], [sflag:$0x1] =	stream.strided.gather @!p1 [hbm4b:s14+s16], $0x2000, s17, s16, $0x38;
	[tilespmem:$0x8080] =	vst v63  }
0x27: {  	p1 =	sge.u32 s31, s5  }
.Ltmp2:
0x28: {  	_ = 	snop;
	(pc) =	sbr.rel @p1 .LBB1_5-.Ltmp2, $1  }
0x29: {  	_ =	sdelay $0x3  }
0x2a: {  	s14 =	simm.s32 $0x1  }
0x2b: {  	_ =	swait.ge [sflag:s4], $0x2000;
	s14 =	simm.s32 @!p0 $0x0  }
0x2c: {  	[sflag:s4] =	ssyncset.done $0x0;
	s15 =	sshll.u32 s14, $0xD  }
0x2d: {  	[sflag:s4] =	ssyncadd.s32 $0xFFFFE000;
	s18 =	sor.u32 $0x20, s15  }
0x2e: {  	s14 =	smul.u32 $0x8100, s14;
	v3 =	vld [tilespmem:s18+$0x10]  }
0x2f: {  	s30 =	sand.u32 $0x1, s11;
	v2 =	vld [tilespmem:s18+$0xFFFFFFF0]  }
0x30: {  	s15 =	smul.u32 $0x8100, s30;
	s14 =	sshrl.u32 s14, $0x2;
	v0 =	vld [tilespmem:s18+$0x0]  }
0x31: {  	v1 =	vld [tilespmem:s18+$0xFFFFFFE0];
	s16 =	sor.u32 $0x4000, s14  }
0x32: {  	s31 =	sshrl.u32 s15, $0x2;
	s15 =	sadd.s32 $0x0, s16  }
0x33: {  	s17 =	simm.s32 $0x4;
	s18 =	sadd.s32 $0x40, s18;
	s14 =	sor.u32 $0x4000, s31;
	[tilespmem:s15+$0x1830 ss:$0x81] =	vst.msk $0xffff, v3  }
.LBB1_3:
0x34: {  	v3 =	vld [tilespmem:s18+$0x10];
	p1 =	sne.s32 s17, $0x1FC;
	[tilespmem:s15+$0x810 ss:$0x81] =	vst.msk $0xffff, v2;
	s19 =	smov.u32 s17;
	s17 =	sadd.s32 $0x4, s17  }
.Ltmp3:
0x35: {  	v2 =	vld [tilespmem:s18+$0xFFFFFFF0];
	[tilespmem:s15+$0x1020 ss:$0x81] =	vst.msk $0xffff, v0;
	(pc) =	sbr.rel @p1 .LBB1_3-.Ltmp3, $4  }
0x36: {  	v0 =	vld [tilespmem:s18+$0x0];
	[tilespmem:s15+$0x0 ss:$0x81] =	vst.msk $0xffff, v1  }
0x37: {  	s15 =	sshra.s32 s19, $0x2;
	v1 =	vld [tilespmem:s18+$0xFFFFFFE0]  }
0x38: {  	s15 =	sadd.s32 s15, s16  }
0x39: {  	s18 =	sadd.s32 $0x40, s18;
	[tilespmem:s15+$0x1830 ss:$0x81] =	vst.msk $0xffff, v3  }
.Ltmp4:
0x3a: {  	_ = 	snop;
	(pc) =	sbr.rel .LBB1_4-.Ltmp4, $1  }
0x3b: {  	_ =	sdelay $0x3  }
.LBB1_6:
0x3c: {  	_ =	sfence.sel $0x180000  }
0x3d: {  	s2 =	simm.s32 $0x1;
	[bflag:$0x0] =	sbarrier.arrive $0xFFFF  }
0x3e: {  	s31 =	simm.s32 $0x2;
	[sflag:s2] =	ssyncpa.u1 $0x1  }
0x3f: {  	[sflag:s31] =	ssyncpa.u1 $0x1  }
0x40: {  	p0 =	sne.s32 s0, $0x0;
	_ =	strace $0x9000004A  }
0x41: {  	s0 =	sadd.s32 @!p0 $0x100000, s1;
	[bflag:$0x2] =	sbarrier.arrive $0xFFFF  }
0x42: {  	[sflag:s0] =	ssyncadd.tile.s32 @!p0 $0x1;
	_ =	shalt  }
.Lfunc_end1:
_tile_overlayer_lowered:
.L_overlay_start_2:
0x43: {  	(tag) =	ssettag $0x2  }
0x44: {  	s0 =	rddreg [dreg:$0x0];
	s2 =	stileid.u32  }
0x45: {  	s1 =	rddreg [dreg:$0x1];
	p0 =	sne.s32 s2, $0x0  }
0x46: {  	s3 =	rddreg [dreg:$0x2];
	[bflag:$0x3] =	sbarrier.arrive $0xFFFF;
	s2 =	simm.s32 @!p0 $0x1C01  }
0x47: {  	[timem:s3], [sflag:s2] =	dma.local @!p0 [hbm:s0], s1  }
0x48: {  	s0 =	simm.s32 @!p0 $0x1  }
0x49: {  	_ =	swait.ge @!p0 [sflag:s0], s1  }
0x4a: {  	s1 =	ssub.s32 @!p0 $0x0, s1;
	[sflag:s0] =	ssyncset.done @!p0 $0x0  }
0x4b: {  	[sflag:s0] =	ssyncadd.s32 @!p0 s1  }
0x4c: {  	[bflag:$0x3] =	sbarrier.arrive $0xFFFF  }
0x4d: {  	_ =	shalt  }

</sc_bundles>
